<compile_context>
chip_gen: v7x
topology: tpu7x:2x2x1
jax: 0.10.2.dev20260603
libtpu: 0.0.44.dev20260713+nightly
codegen_flags: <defaults>
</compile_context>

<pallas_src>
import functools

import jax
import jax.numpy as jnp
from jax import lax
from jax.experimental import pallas as pl
from jax.experimental.pallas import tpu as pltpu
from jax.experimental.pallas import tpu_sc as plsc

EMB_DIM = 128
TIMESTEPS = 1000
BATCH = 16384

_INFO = plsc.get_sparse_core_info()
_NC, _NS = _INFO.num_cores, _INFO.num_subcores
_NW = _NC * _NS
_B_PER_W = BATCH // _NW
_NCHUNK = 8
_CHUNK = _B_PER_W // _NCHUNK


def _fuse_body(table_ref, w_ref, b_ref, out_ref):
    out_ref[...] = (
        lax.dot_general(
            table_ref[...],
            w_ref[...],
            (((1,), (1,)), ((), ())),
            preferred_element_type=jnp.float32,
        )
        + b_ref[...]
    )


def _fuse_table(table, W, b2):
    return pl.pallas_call(
        _fuse_body,
        out_shape=jax.ShapeDtypeStruct((TIMESTEPS, EMB_DIM), jnp.float32),
    )(table, W, b2)


_MESH = plsc.VectorSubcoreMesh(core_axis_name="c", subcore_axis_name="s")


@functools.partial(
    pl.kernel,
    mesh=_MESH,
    out_type=jax.ShapeDtypeStruct((BATCH, EMB_DIM), jnp.float32),
    scratch_types=[
        pltpu.VMEM((_B_PER_W,), jnp.int32),
        pltpu.VMEM((_B_PER_W, EMB_DIM), jnp.float32),
        pltpu.VMEM_SHARED((TIMESTEPS, EMB_DIM), jnp.float32),
        pltpu.SemaphoreType.DMA,
        pltpu.SemaphoreType.DMA,
    ],
)
def _gather_kernel(idx_hbm, fused_hbm, out_hbm, idx_v, rows_v, table_s, gsem, wsem):
    wid = lax.axis_index("s") * _NC + lax.axis_index("c")
    base = wid * _B_PER_W
    pltpu.sync_copy(idx_hbm.at[pl.ds(base, _B_PER_W)], idx_v)
    sid = lax.axis_index("s")
    for j, (lo, sz) in enumerate([(0, 256), (256, 256), (512, 256), (768, 232)]):

        @pl.when(sid == j * 4)
        def _(lo=lo, sz=sz):
            pltpu.sync_copy(fused_hbm.at[pl.ds(lo, sz)], table_s.at[pl.ds(lo, sz)])

    plsc.subcore_barrier()
    gathers = [
        pltpu.async_copy(
            table_s.at[idx_v.at[pl.ds(i * _CHUNK, _CHUNK)]],
            rows_v.at[pl.ds(i * _CHUNK, _CHUNK)],
            gsem,
        )
        for i in range(_NCHUNK)
    ]
    writes = []
    for i in range(_NCHUNK):
        gathers[i].wait()
        writes.append(
            pltpu.async_copy(
                rows_v.at[pl.ds(i * _CHUNK, _CHUNK)],
                out_hbm.at[pl.ds(base + i * _CHUNK, _CHUNK)],
                wsem,
            )
        )
    for w in writes:
        w.wait()


def kernel(t, table, W, b):
    fused = _fuse_table(table, W, b.reshape(1, EMB_DIM))
    return _gather_kernel(t, fused)

# --- scband reference (transcript-rebuilt; emitter-appended) ---
"""Pipeline reference for scband-sinusoidal-position-embedding-13262859010080 (READ-ONLY COPY).

The authoritative reference and input builder live on the scoring server;
editing this copy changes nothing except your own understanding.
"""

import jax, jax.numpy as jnp
import numpy as np
import math

EMB_DIM = 128
TIMESTEPS = 1000
BATCH = 16384

def _build_table(emb_dim, timesteps):
    half_dim = emb_dim // 2
    e = math.log(10000) / (half_dim - 1)
    i = jnp.arange(half_dim, dtype=jnp.float32)
    freq = jnp.exp(i * -e)
    pos = jnp.arange(timesteps, dtype=jnp.float32)
    emb = pos[:, None] * freq[None, :]
    return jnp.concatenate([jnp.sin(emb), jnp.cos(emb)], axis=-1)


def setup_inputs(seed: int = 0) -> dict:
    key = jax.random.key(seed)
    k1, k2, k3 = jax.random.split(key, 3)
    t = jax.random.randint(k1, (BATCH,), 0, TIMESTEPS, dtype=jnp.int32)
    table = _build_table(EMB_DIM, TIMESTEPS)
    # Linear(emb_dim, emb_dim): torch stores W as [out_features, in_features]
    W = jax.random.normal(k2, (EMB_DIM, EMB_DIM), dtype=jnp.float32) * (1.0 / math.sqrt(EMB_DIM))
    b = jax.random.normal(k3, (EMB_DIM,), dtype=jnp.float32) * 0.01
    return {"t": t, "table": table, "W": W, "b": b}


def reference(t, table, W, b):
    # nn.Embedding.from_pretrained lookup -> nn.Linear
    emb = jnp.take(table, t, axis=0)          # [B, emb_dim]
    out = emb @ W.T + b                        # [B, emb_dim]
    return out

if __name__ == "__main__":
    import jax
    _d = setup_inputs()
    print(jax.jit(kernel)(*tuple(_d.values())))

</pallas_src>

<mosaic_0001>
#map = affine_map<(d0, d1) -> (0)>
#map1 = affine_map<(d0, d1) -> (0, 0)>
module attributes {stable_mosaic.version = 14 : i64} {
  func.func @_gather_kernel(%arg0: i32, %arg1: i32, %arg2: memref<16384xi32, #tpu.memory_space<hbm>>, %arg3: memref<1000x128xf32, #tpu.memory_space<hbm>>, %arg4: memref<16384x128xf32, #tpu.memory_space<hbm>>, %arg5: memref<512xi32, #tpu.memory_space<vmem>>, %arg6: memref<512x128xf32, #tpu.memory_space<vmem>>, %arg7: memref<1000x128xf32, #tpu.memory_space<vmem_shared>>, %arg8: memref<!tpu.dma_semaphore, #tpu.memory_space<semaphore_mem>>, %arg9: memref<!tpu.dma_semaphore, #tpu.memory_space<semaphore_mem>>) attributes {dimension_semantics = [#tpu.dimension_semantics<core_parallel>, #tpu.dimension_semantics<subcore_parallel>], iteration_bounds = array<i64: 2, 16>, scalar_prefetch = 0 : i64, scratch_operands = 5 : i64, tpu.core_type = #tpu.core_type<sc_vector_subcore>, window_params = [{transform_indices = #map}, {transform_indices = #map1}, {transform_indices = #map1}]} {
    %mul3A = arith.constant 2 : i32
    %mul3A_0 = arith.muli %arg1, %mul3A : i32
    %add3A = arith.addi %mul3A_0, %arg0 : i32
    %mul3A_1 = arith.constant 512 : i32
    %mul3A_2 = arith.muli %add3A, %mul3A_1 : i32
    "tpu.region"() ({
      %run_scoped3A = tpu.sem_alloc : memref<!tpu.dma_semaphore, #tpu.memory_space<semaphore_mem>>
      %dma_start3A_322 = tpu.memref_slice %arg2[%mul3A_2] : memref<16384xi32, #tpu.memory_space<hbm>> -> memref<512xi32, #tpu.memory_space<hbm>>
      %dma_start3A_323 = tpu.memref_slice %arg2[%mul3A_2] : memref<16384xi32, #tpu.memory_space<hbm>> -> memref<512xi32, #tpu.memory_space<hbm>>
      tpu.enqueue_dma source(%dma_start3A_323 : memref<512xi32, #tpu.memory_space<hbm>>) target(%arg5 : memref<512xi32, #tpu.memory_space<vmem>>) target_semaphore(%run_scoped3A : memref<!tpu.dma_semaphore, #tpu.memory_space<semaphore_mem>>)
      %dma_wait3A_324 = tpu.memref_slice %arg2[%mul3A_2] : memref<16384xi32, #tpu.memory_space<hbm>> -> memref<512xi32, #tpu.memory_space<hbm>>
      %dma_wait3A_325 = tpu.memref_slice %arg2[%mul3A_2] : memref<16384xi32, #tpu.memory_space<hbm>> -> memref<512xi32, #tpu.memory_space<hbm>>
      tpu.wait_dma2 semaphore(%run_scoped3A : memref<!tpu.dma_semaphore, #tpu.memory_space<semaphore_mem>>) src(%dma_wait3A_325 : memref<512xi32, #tpu.memory_space<hbm>>) dst(%arg5 : memref<512xi32, #tpu.memory_space<vmem>>)
      tpu.yield
    }) : () -> ()
    %eq3A = arith.constant 0 : i32
    %eq3A_3 = arith.cmpi eq, %arg1, %eq3A : i32
    %convert_element_type3A = arith.extui %eq3A_3 : i1 to i32
    %cond3A = arith.constant 0 : i32
    %cond3A_4 = arith.cmpi ne, %convert_element_type3A, %cond3A : i32
    scf.if %cond3A_4 {
      "tpu.region"() ({
        %run_scoped3A = tpu.sem_alloc : memref<!tpu.dma_semaphore, #tpu.memory_space<semaphore_mem>>
        %dma_start3A_322 = arith.constant 0 : i32
        %dma_start3A_323 = arith.constant 0 : i32
        %dma_start3A_324 = tpu.memref_slice %arg7[%dma_start3A_322, %dma_start3A_323] : memref<1000x128xf32, #tpu.memory_space<vmem_shared>> -> memref<256x128xf32, #tpu.memory_space<vmem_shared>>
        %dma_start3A_325 = arith.constant 0 : i32
        %dma_start3A_326 = arith.constant 0 : i32
        %dma_start3A_327 = tpu.memref_slice %arg3[%dma_start3A_325, %dma_start3A_326] : memref<1000x128xf32, #tpu.memory_space<hbm>> -> memref<256x128xf32, #tpu.memory_space<hbm>>
        tpu.enqueue_dma source(%dma_start3A_327 : memref<256x128xf32, #tpu.memory_space<hbm>>) target(%dma_start3A_324 : memref<256x128xf32, #tpu.memory_space<vmem_shared>>) target_semaphore(%run_scoped3A : memref<!tpu.dma_semaphore, #tpu.memory_space<semaphore_mem>>)
        %dma_wait3A_328 = arith.constant 0 : i32
        %dma_wait3A_329 = arith.constant 0 : i32
        %dma_wait3A_330 = tpu.memref_slice %arg7[%dma_wait3A_328, %dma_wait3A_329] : memref<1000x128xf32, #tpu.memory_space<vmem_shared>> -> memref<256x128xf32, #tpu.memory_space<vmem_shared>>
        %dma_wait3A_331 = arith.constant 0 : i32
        %dma_wait3A_332 = arith.constant 0 : i32
        %dma_wait3A_333 = tpu.memref_slice %arg3[%dma_wait3A_331, %dma_wait3A_332] : memref<1000x128xf32, #tpu.memory_space<hbm>> -> memref<256x128xf32, #tpu.memory_space<hbm>>
        tpu.wait_dma2 semaphore(%run_scoped3A : memref<!tpu.dma_semaphore, #tpu.memory_space<semaphore_mem>>) src(%dma_wait3A_333 : memref<256x128xf32, #tpu.memory_space<hbm>>) dst(%dma_wait3A_330 : memref<256x128xf32, #tpu.memory_space<vmem_shared>>)
        tpu.yield
      }) : () -> ()
    } else {
    }
    %eq3A_5 = arith.constant 4 : i32
    %eq3A_6 = arith.cmpi eq, %arg1, %eq3A_5 : i32
    %convert_element_type3A_7 = arith.extui %eq3A_6 : i1 to i32
    %cond3A_8 = arith.constant 0 : i32
    %cond3A_9 = arith.cmpi ne, %convert_element_type3A_7, %cond3A_8 : i32
    scf.if %cond3A_9 {
      "tpu.region"() ({
        %run_scoped3A = tpu.sem_alloc : memref<!tpu.dma_semaphore, #tpu.memory_space<semaphore_mem>>
        %dma_start3A_322 = arith.constant 256 : i32
        %dma_start3A_323 = arith.constant 0 : i32
        %dma_start3A_324 = tpu.memref_slice %arg7[%dma_start3A_322, %dma_start3A_323] : memref<1000x128xf32, #tpu.memory_space<vmem_shared>> -> memref<256x128xf32, #tpu.memory_space<vmem_shared>>
        %dma_start3A_325 = arith.constant 256 : i32
        %dma_start3A_326 = arith.constant 0 : i32
        %dma_start3A_327 = tpu.memref_slice %arg3[%dma_start3A_325, %dma_start3A_326] : memref<1000x128xf32, #tpu.memory_space<hbm>> -> memref<256x128xf32, #tpu.memory_space<hbm>>
        tpu.enqueue_dma source(%dma_start3A_327 : memref<256x128xf32, #tpu.memory_space<hbm>>) target(%dma_start3A_324 : memref<256x128xf32, #tpu.memory_space<vmem_shared>>) target_semaphore(%run_scoped3A : memref<!tpu.dma_semaphore, #tpu.memory_space<semaphore_mem>>)
        %dma_wait3A_328 = arith.constant 256 : i32
        %dma_wait3A_329 = arith.constant 0 : i32
        %dma_wait3A_330 = tpu.memref_slice %arg7[%dma_wait3A_328, %dma_wait3A_329] : memref<1000x128xf32, #tpu.memory_space<vmem_shared>> -> memref<256x128xf32, #tpu.memory_space<vmem_shared>>
        %dma_wait3A_331 = arith.constant 256 : i32
        %dma_wait3A_332 = arith.constant 0 : i32
        %dma_wait3A_333 = tpu.memref_slice %arg3[%dma_wait3A_331, %dma_wait3A_332] : memref<1000x128xf32, #tpu.memory_space<hbm>> -> memref<256x128xf32, #tpu.memory_space<hbm>>
        tpu.wait_dma2 semaphore(%run_scoped3A : memref<!tpu.dma_semaphore, #tpu.memory_space<semaphore_mem>>) src(%dma_wait3A_333 : memref<256x128xf32, #tpu.memory_space<hbm>>) dst(%dma_wait3A_330 : memref<256x128xf32, #tpu.memory_space<vmem_shared>>)
        tpu.yield
      }) : () -> ()
    } else {
    }
    %eq3A_10 = arith.constant 8 : i32
    %eq3A_11 = arith.cmpi eq, %arg1, %eq3A_10 : i32
    %convert_element_type3A_12 = arith.extui %eq3A_11 : i1 to i32
    %cond3A_13 = arith.constant 0 : i32
    %cond3A_14 = arith.cmpi ne, %convert_element_type3A_12, %cond3A_13 : i32
    scf.if %cond3A_14 {
      "tpu.region"() ({
        %run_scoped3A = tpu.sem_alloc : memref<!tpu.dma_semaphore, #tpu.memory_space<semaphore_mem>>
        %dma_start3A_322 = arith.constant 512 : i32
        %dma_start3A_323 = arith.constant 0 : i32
        %dma_start3A_324 = tpu.memref_slice %arg7[%dma_start3A_322, %dma_start3A_323] : memref<1000x128xf32, #tpu.memory_space<vmem_shared>> -> memref<256x128xf32, #tpu.memory_space<vmem_shared>>
        %dma_start3A_325 = arith.constant 512 : i32
        %dma_start3A_326 = arith.constant 0 : i32
        %dma_start3A_327 = tpu.memref_slice %arg3[%dma_start3A_325, %dma_start3A_326] : memref<1000x128xf32, #tpu.memory_space<hbm>> -> memref<256x128xf32, #tpu.memory_space<hbm>>
        tpu.enqueue_dma source(%dma_start3A_327 : memref<256x128xf32, #tpu.memory_space<hbm>>) target(%dma_start3A_324 : memref<256x128xf32, #tpu.memory_space<vmem_shared>>) target_semaphore(%run_scoped3A : memref<!tpu.dma_semaphore, #tpu.memory_space<semaphore_mem>>)
        %dma_wait3A_328 = arith.constant 512 : i32
        %dma_wait3A_329 = arith.constant 0 : i32
        %dma_wait3A_330 = tpu.memref_slice %arg7[%dma_wait3A_328, %dma_wait3A_329] : memref<1000x128xf32, #tpu.memory_space<vmem_shared>> -> memref<256x128xf32, #tpu.memory_space<vmem_shared>>
        %dma_wait3A_331 = arith.constant 512 : i32
        %dma_wait3A_332 = arith.constant 0 : i32
        %dma_wait3A_333 = tpu.memref_slice %arg3[%dma_wait3A_331, %dma_wait3A_332] : memref<1000x128xf32, #tpu.memory_space<hbm>> -> memref<256x128xf32, #tpu.memory_space<hbm>>
        tpu.wait_dma2 semaphore(%run_scoped3A : memref<!tpu.dma_semaphore, #tpu.memory_space<semaphore_mem>>) src(%dma_wait3A_333 : memref<256x128xf32, #tpu.memory_space<hbm>>) dst(%dma_wait3A_330 : memref<256x128xf32, #tpu.memory_space<vmem_shared>>)
        tpu.yield
      }) : () -> ()
    } else {
    }
    %eq3A_15 = arith.constant 12 : i32
    %eq3A_16 = arith.cmpi eq, %arg1, %eq3A_15 : i32
    %convert_element_type3A_17 = arith.extui %eq3A_16 : i1 to i32
    %cond3A_18 = arith.constant 0 : i32
    %cond3A_19 = arith.cmpi ne, %convert_element_type3A_17, %cond3A_18 : i32
    scf.if %cond3A_19 {
      "tpu.region"() ({
        %run_scoped3A = tpu.sem_alloc : memref<!tpu.dma_semaphore, #tpu.memory_space<semaphore_mem>>
        %dma_start3A_322 = arith.constant 768 : i32
        %dma_start3A_323 = arith.constant 0 : i32
        %dma_start3A_324 = tpu.memref_slice %arg7[%dma_start3A_322, %dma_start3A_323] : memref<1000x128xf32, #tpu.memory_space<vmem_shared>> -> memref<232x128xf32, #tpu.memory_space<vmem_shared>>
        %dma_start3A_325 = arith.constant 768 : i32
        %dma_start3A_326 = arith.constant 0 : i32
        %dma_start3A_327 = tpu.memref_slice %arg3[%dma_start3A_325, %dma_start3A_326] : memref<1000x128xf32, #tpu.memory_space<hbm>> -> memref<232x128xf32, #tpu.memory_space<hbm>>
        tpu.enqueue_dma source(%dma_start3A_327 : memref<232x128xf32, #tpu.memory_space<hbm>>) target(%dma_start3A_324 : memref<232x128xf32, #tpu.memory_space<vmem_shared>>) target_semaphore(%run_scoped3A : memref<!tpu.dma_semaphore, #tpu.memory_space<semaphore_mem>>)
        %dma_wait3A_328 = arith.constant 768 : i32
        %dma_wait3A_329 = arith.constant 0 : i32
        %dma_wait3A_330 = tpu.memref_slice %arg7[%dma_wait3A_328, %dma_wait3A_329] : memref<1000x128xf32, #tpu.memory_space<vmem_shared>> -> memref<232x128xf32, #tpu.memory_space<vmem_shared>>
        %dma_wait3A_331 = arith.constant 768 : i32
        %dma_wait3A_332 = arith.constant 0 : i32
        %dma_wait3A_333 = tpu.memref_slice %arg3[%dma_wait3A_331, %dma_wait3A_332] : memref<1000x128xf32, #tpu.memory_space<hbm>> -> memref<232x128xf32, #tpu.memory_space<hbm>>
        tpu.wait_dma2 semaphore(%run_scoped3A : memref<!tpu.dma_semaphore, #tpu.memory_space<semaphore_mem>>) src(%dma_wait3A_333 : memref<232x128xf32, #tpu.memory_space<hbm>>) dst(%dma_wait3A_330 : memref<232x128xf32, #tpu.memory_space<vmem_shared>>)
        tpu.yield
      }) : () -> ()
    } else {
    }
    %barrier3A = arith.constant 0 : index
    tpu.barrier barrier_id(%barrier3A)
    %dma_start3A = arith.constant 0 : i32
    %dma_start3A_20 = arith.constant 0 : i32
    %dma_start3A_21 = tpu.memref_slice %arg6[%dma_start3A, %dma_start3A_20] : memref<512x128xf32, #tpu.memory_space<vmem>> -> memref<64x128xf32, #tpu.memory_space<vmem>>
    %dma_start3A_22 = arith.constant 0 : i32
    %dma_start3A_23 = tpu.memref_slice %arg5[%dma_start3A_22] : memref<512xi32, #tpu.memory_space<vmem>> -> memref<64xi32, #tpu.memory_space<vmem>>
    %dma_start3A_24 = arith.constant 0 : i32
    %dma_start3A_25 = arith.constant 0 : i32
    %dma_start3A_26 = tpu.memref_slice %arg7[%dma_start3A_24, %dma_start3A_25] : memref<1000x128xf32, #tpu.memory_space<vmem_shared>> -> memref<1000x128xf32, #tpu.memory_space<vmem_shared>>
    tpu.enqueue_indirect_dma source(%dma_start3A_26 : memref<1000x128xf32, #tpu.memory_space<vmem_shared>>) target(%dma_start3A_21 : memref<64x128xf32, #tpu.memory_space<vmem>>) offsets(%dma_start3A_23 : memref<64xi32, #tpu.memory_space<vmem>>) semaphore(%arg8 : memref<!tpu.dma_semaphore, #tpu.memory_space<semaphore_mem>>)
    %dma_start3A_27 = arith.constant 64 : i32
    %dma_start3A_28 = arith.constant 0 : i32
    %dma_start3A_29 = tpu.memref_slice %arg6[%dma_start3A_27, %dma_start3A_28] : memref<512x128xf32, #tpu.memory_space<vmem>> -> memref<64x128xf32, #tpu.memory_space<vmem>>
    %dma_start3A_30 = arith.constant 64 : i32
    %dma_start3A_31 = tpu.memref_slice %arg5[%dma_start3A_30] : memref<512xi32, #tpu.memory_space<vmem>> -> memref<64xi32, #tpu.memory_space<vmem>>
    %dma_start3A_32 = arith.constant 0 : i32
    %dma_start3A_33 = arith.constant 0 : i32
    %dma_start3A_34 = tpu.memref_slice %arg7[%dma_start3A_32, %dma_start3A_33] : memref<1000x128xf32, #tpu.memory_space<vmem_shared>> -> memref<1000x128xf32, #tpu.memory_space<vmem_shared>>
    tpu.enqueue_indirect_dma source(%dma_start3A_34 : memref<1000x128xf32, #tpu.memory_space<vmem_shared>>) target(%dma_start3A_29 : memref<64x128xf32, #tpu.memory_space<vmem>>) offsets(%dma_start3A_31 : memref<64xi32, #tpu.memory_space<vmem>>) semaphore(%arg8 : memref<!tpu.dma_semaphore, #tpu.memory_space<semaphore_mem>>)
    %dma_start3A_35 = arith.constant 128 : i32
    %dma_start3A_36 = arith.constant 0 : i32
    %dma_start3A_37 = tpu.memref_slice %arg6[%dma_start3A_35, %dma_start3A_36] : memref<512x128xf32, #tpu.memory_space<vmem>> -> memref<64x128xf32, #tpu.memory_space<vmem>>
    %dma_start3A_38 = arith.constant 128 : i32
    %dma_start3A_39 = tpu.memref_slice %arg5[%dma_start3A_38] : memref<512xi32, #tpu.memory_space<vmem>> -> memref<64xi32, #tpu.memory_space<vmem>>
    %dma_start3A_40 = arith.constant 0 : i32
    %dma_start3A_41 = arith.constant 0 : i32
    %dma_start3A_42 = tpu.memref_slice %arg7[%dma_start3A_40, %dma_start3A_41] : memref<1000x128xf32, #tpu.memory_space<vmem_shared>> -> memref<1000x128xf32, #tpu.memory_space<vmem_shared>>
    tpu.enqueue_indirect_dma source(%dma_start3A_42 : memref<1000x128xf32, #tpu.memory_space<vmem_shared>>) target(%dma_start3A_37 : memref<64x128xf32, #tpu.memory_space<vmem>>) offsets(%dma_start3A_39 : memref<64xi32, #tpu.memory_space<vmem>>) semaphore(%arg8 : memref<!tpu.dma_semaphore, #tpu.memory_space<semaphore_mem>>)
    %dma_start3A_43 = arith.constant 192 : i32
    %dma_start3A_44 = arith.constant 0 : i32
    %dma_start3A_45 = tpu.memref_slice %arg6[%dma_start3A_43, %dma_start3A_44] : memref<512x128xf32, #tpu.memory_space<vmem>> -> memref<64x128xf32, #tpu.memory_space<vmem>>
    %dma_start3A_46 = arith.constant 192 : i32
    %dma_start3A_47 = tpu.memref_slice %arg5[%dma_start3A_46] : memref<512xi32, #tpu.memory_space<vmem>> -> memref<64xi32, #tpu.memory_space<vmem>>
    %dma_start3A_48 = arith.constant 0 : i32
    %dma_start3A_49 = arith.constant 0 : i32
    %dma_start3A_50 = tpu.memref_slice %arg7[%dma_start3A_48, %dma_start3A_49] : memref<1000x128xf32, #tpu.memory_space<vmem_shared>> -> memref<1000x128xf32, #tpu.memory_space<vmem_shared>>
    tpu.enqueue_indirect_dma source(%dma_start3A_50 : memref<1000x128xf32, #tpu.memory_space<vmem_shared>>) target(%dma_start3A_45 : memref<64x128xf32, #tpu.memory_space<vmem>>) offsets(%dma_start3A_47 : memref<64xi32, #tpu.memory_space<vmem>>) semaphore(%arg8 : memref<!tpu.dma_semaphore, #tpu.memory_space<semaphore_mem>>)
    %dma_start3A_51 = arith.constant 256 : i32
    %dma_start3A_52 = arith.constant 0 : i32
    %dma_start3A_53 = tpu.memref_slice %arg6[%dma_start3A_51, %dma_start3A_52] : memref<512x128xf32, #tpu.memory_space<vmem>> -> memref<64x128xf32, #tpu.memory_space<vmem>>
    %dma_start3A_54 = arith.constant 256 : i32
    %dma_start3A_55 = tpu.memref_slice %arg5[%dma_start3A_54] : memref<512xi32, #tpu.memory_space<vmem>> -> memref<64xi32, #tpu.memory_space<vmem>>
    %dma_start3A_56 = arith.constant 0 : i32
    %dma_start3A_57 = arith.constant 0 : i32
    %dma_start3A_58 = tpu.memref_slice %arg7[%dma_start3A_56, %dma_start3A_57] : memref<1000x128xf32, #tpu.memory_space<vmem_shared>> -> memref<1000x128xf32, #tpu.memory_space<vmem_shared>>
    tpu.enqueue_indirect_dma source(%dma_start3A_58 : memref<1000x128xf32, #tpu.memory_space<vmem_shared>>) target(%dma_start3A_53 : memref<64x128xf32, #tpu.memory_space<vmem>>) offsets(%dma_start3A_55 : memref<64xi32, #tpu.memory_space<vmem>>) semaphore(%arg8 : memref<!tpu.dma_semaphore, #tpu.memory_space<semaphore_mem>>)
    %dma_start3A_59 = arith.constant 320 : i32
    %dma_start3A_60 = arith.constant 0 : i32
    %dma_start3A_61 = tpu.memref_slice %arg6[%dma_start3A_59, %dma_start3A_60] : memref<512x128xf32, #tpu.memory_space<vmem>> -> memref<64x128xf32, #tpu.memory_space<vmem>>
    %dma_start3A_62 = arith.constant 320 : i32
    %dma_start3A_63 = tpu.memref_slice %arg5[%dma_start3A_62] : memref<512xi32, #tpu.memory_space<vmem>> -> memref<64xi32, #tpu.memory_space<vmem>>
    %dma_start3A_64 = arith.constant 0 : i32
    %dma_start3A_65 = arith.constant 0 : i32
    %dma_start3A_66 = tpu.memref_slice %arg7[%dma_start3A_64, %dma_start3A_65] : memref<1000x128xf32, #tpu.memory_space<vmem_shared>> -> memref<1000x128xf32, #tpu.memory_space<vmem_shared>>
    tpu.enqueue_indirect_dma source(%dma_start3A_66 : memref<1000x128xf32, #tpu.memory_space<vmem_shared>>) target(%dma_start3A_61 : memref<64x128xf32, #tpu.memory_space<vmem>>) offsets(%dma_start3A_63 : memref<64xi32, #tpu.memory_space<vmem>>) semaphore(%arg8 : memref<!tpu.dma_semaphore, #tpu.memory_space<semaphore_mem>>)
    %dma_start3A_67 = arith.constant 384 : i32
    %dma_start3A_68 = arith.constant 0 : i32
    %dma_start3A_69 = tpu.memref_slice %arg6[%dma_start3A_67, %dma_start3A_68] : memref<512x128xf32, #tpu.memory_space<vmem>> -> memref<64x128xf32, #tpu.memory_space<vmem>>
    %dma_start3A_70 = arith.constant 384 : i32
    %dma_start3A_71 = tpu.memref_slice %arg5[%dma_start3A_70] : memref<512xi32, #tpu.memory_space<vmem>> -> memref<64xi32, #tpu.memory_space<vmem>>
    %dma_start3A_72 = arith.constant 0 : i32
    %dma_start3A_73 = arith.constant 0 : i32
    %dma_start3A_74 = tpu.memref_slice %arg7[%dma_start3A_72, %dma_start3A_73] : memref<1000x128xf32, #tpu.memory_space<vmem_shared>> -> memref<1000x128xf32, #tpu.memory_space<vmem_shared>>
    tpu.enqueue_indirect_dma source(%dma_start3A_74 : memref<1000x128xf32, #tpu.memory_space<vmem_shared>>) target(%dma_start3A_69 : memref<64x128xf32, #tpu.memory_space<vmem>>) offsets(%dma_start3A_71 : memref<64xi32, #tpu.memory_space<vmem>>) semaphore(%arg8 : memref<!tpu.dma_semaphore, #tpu.memory_space<semaphore_mem>>)
    %dma_start3A_75 = arith.constant 448 : i32
    %dma_start3A_76 = arith.constant 0 : i32
    %dma_start3A_77 = tpu.memref_slice %arg6[%dma_start3A_75, %dma_start3A_76] : memref<512x128xf32, #tpu.memory_space<vmem>> -> memref<64x128xf32, #tpu.memory_space<vmem>>
    %dma_start3A_78 = arith.constant 448 : i32
    %dma_start3A_79 = tpu.memref_slice %arg5[%dma_start3A_78] : memref<512xi32, #tpu.memory_space<vmem>> -> memref<64xi32, #tpu.memory_space<vmem>>
    %dma_start3A_80 = arith.constant 0 : i32
    %dma_start3A_81 = arith.constant 0 : i32
    %dma_start3A_82 = tpu.memref_slice %arg7[%dma_start3A_80, %dma_start3A_81] : memref<1000x128xf32, #tpu.memory_space<vmem_shared>> -> memref<1000x128xf32, #tpu.memory_space<vmem_shared>>
    tpu.enqueue_indirect_dma source(%dma_start3A_82 : memref<1000x128xf32, #tpu.memory_space<vmem_shared>>) target(%dma_start3A_77 : memref<64x128xf32, #tpu.memory_space<vmem>>) offsets(%dma_start3A_79 : memref<64xi32, #tpu.memory_space<vmem>>) semaphore(%arg8 : memref<!tpu.dma_semaphore, #tpu.memory_space<semaphore_mem>>)
    %dma_wait3A = arith.constant 0 : i32
    %dma_wait3A_83 = arith.constant 0 : i32
    %dma_wait3A_84 = tpu.memref_slice %arg6[%dma_wait3A, %dma_wait3A_83] : memref<512x128xf32, #tpu.memory_space<vmem>> -> memref<64x128xf32, #tpu.memory_space<vmem>>
    %dma_wait3A_85 = arith.constant 0 : i32
    %dma_wait3A_86 = tpu.memref_slice %arg5[%dma_wait3A_85] : memref<512xi32, #tpu.memory_space<vmem>> -> memref<64xi32, #tpu.memory_space<vmem>>
    %dma_wait3A_87 = arith.constant 0 : i32
    %dma_wait3A_88 = arith.constant 0 : i32
    %dma_wait3A_89 = tpu.memref_slice %arg7[%dma_wait3A_87, %dma_wait3A_88] : memref<1000x128xf32, #tpu.memory_space<vmem_shared>> -> memref<1000x128xf32, #tpu.memory_space<vmem_shared>>
    tpu.wait_indirect_dma semaphore(%arg8 : memref<!tpu.dma_semaphore, #tpu.memory_space<semaphore_mem>>) src(%dma_wait3A_89 : memref<1000x128xf32, #tpu.memory_space<vmem_shared>>) dst(%dma_wait3A_84 : memref<64x128xf32, #tpu.memory_space<vmem>>)
    %add3A_90 = arith.constant 0 : i32
    %add3A_91 = arith.addi %mul3A_2, %add3A_90 : i32
    %dma_start3A_92 = arith.constant 0 : i32
    %dma_start3A_93 = arith.constant 0 : i32
    %dma_start3A_94 = tpu.memref_slice %arg6[%dma_start3A_92, %dma_start3A_93] : memref<512x128xf32, #tpu.memory_space<vmem>> -> memref<64x128xf32, #tpu.memory_space<vmem>>
    %dma_start3A_95 = arith.constant 0 : i32
    %dma_start3A_96 = tpu.memref_slice %arg4[%add3A_91, %dma_start3A_95] : memref<16384x128xf32, #tpu.memory_space<hbm>> -> memref<64x128xf32, #tpu.memory_space<hbm>>
    %dma_start3A_97 = arith.constant 0 : i32
    %dma_start3A_98 = tpu.memref_slice %arg4[%add3A_91, %dma_start3A_97] : memref<16384x128xf32, #tpu.memory_space<hbm>> -> memref<64x128xf32, #tpu.memory_space<hbm>>
    %dma_start3A_99 = arith.constant 0 : i32
    %dma_start3A_100 = arith.constant 0 : i32
    %dma_start3A_101 = tpu.memref_slice %arg6[%dma_start3A_99, %dma_start3A_100] : memref<512x128xf32, #tpu.memory_space<vmem>> -> memref<64x128xf32, #tpu.memory_space<vmem>>
    tpu.enqueue_dma source(%dma_start3A_101 : memref<64x128xf32, #tpu.memory_space<vmem>>) target(%dma_start3A_98 : memref<64x128xf32, #tpu.memory_space<hbm>>) target_semaphore(%arg9 : memref<!tpu.dma_semaphore, #tpu.memory_space<semaphore_mem>>)
    %dma_wait3A_102 = arith.constant 64 : i32
    %dma_wait3A_103 = arith.constant 0 : i32
    %dma_wait3A_104 = tpu.memref_slice %arg6[%dma_wait3A_102, %dma_wait3A_103] : memref<512x128xf32, #tpu.memory_space<vmem>> -> memref<64x128xf32, #tpu.memory_space<vmem>>
    %dma_wait3A_105 = arith.constant 64 : i32
    %dma_wait3A_106 = tpu.memref_slice %arg5[%dma_wait3A_105] : memref<512xi32, #tpu.memory_space<vmem>> -> memref<64xi32, #tpu.memory_space<vmem>>
    %dma_wait3A_107 = arith.constant 0 : i32
    %dma_wait3A_108 = arith.constant 0 : i32
    %dma_wait3A_109 = tpu.memref_slice %arg7[%dma_wait3A_107, %dma_wait3A_108] : memref<1000x128xf32, #tpu.memory_space<vmem_shared>> -> memref<1000x128xf32, #tpu.memory_space<vmem_shared>>
    tpu.wait_indirect_dma semaphore(%arg8 : memref<!tpu.dma_semaphore, #tpu.memory_space<semaphore_mem>>) src(%dma_wait3A_109 : memref<1000x128xf32, #tpu.memory_space<vmem_shared>>) dst(%dma_wait3A_104 : memref<64x128xf32, #tpu.memory_space<vmem>>)
    %add3A_110 = arith.constant 64 : i32
    %add3A_111 = arith.addi %mul3A_2, %add3A_110 : i32
    %dma_start3A_112 = arith.constant 64 : i32
    %dma_start3A_113 = arith.constant 0 : i32
    %dma_start3A_114 = tpu.memref_slice %arg6[%dma_start3A_112, %dma_start3A_113] : memref<512x128xf32, #tpu.memory_space<vmem>> -> memref<64x128xf32, #tpu.memory_space<vmem>>
    %dma_start3A_115 = arith.constant 0 : i32
    %dma_start3A_116 = tpu.memref_slice %arg4[%add3A_111, %dma_start3A_115] : memref<16384x128xf32, #tpu.memory_space<hbm>> -> memref<64x128xf32, #tpu.memory_space<hbm>>
    %dma_start3A_117 = arith.constant 0 : i32
    %dma_start3A_118 = tpu.memref_slice %arg4[%add3A_111, %dma_start3A_117] : memref<16384x128xf32, #tpu.memory_space<hbm>> -> memref<64x128xf32, #tpu.memory_space<hbm>>
    %dma_start3A_119 = arith.constant 64 : i32
    %dma_start3A_120 = arith.constant 0 : i32
    %dma_start3A_121 = tpu.memref_slice %arg6[%dma_start3A_119, %dma_start3A_120] : memref<512x128xf32, #tpu.memory_space<vmem>> -> memref<64x128xf32, #tpu.memory_space<vmem>>
    tpu.enqueue_dma source(%dma_start3A_121 : memref<64x128xf32, #tpu.memory_space<vmem>>) target(%dma_start3A_118 : memref<64x128xf32, #tpu.memory_space<hbm>>) target_semaphore(%arg9 : memref<!tpu.dma_semaphore, #tpu.memory_space<semaphore_mem>>)
    %dma_wait3A_122 = arith.constant 128 : i32
    %dma_wait3A_123 = arith.constant 0 : i32
    %dma_wait3A_124 = tpu.memref_slice %arg6[%dma_wait3A_122, %dma_wait3A_123] : memref<512x128xf32, #tpu.memory_space<vmem>> -> memref<64x128xf32, #tpu.memory_space<vmem>>
    %dma_wait3A_125 = arith.constant 128 : i32
    %dma_wait3A_126 = tpu.memref_slice %arg5[%dma_wait3A_125] : memref<512xi32, #tpu.memory_space<vmem>> -> memref<64xi32, #tpu.memory_space<vmem>>
    %dma_wait3A_127 = arith.constant 0 : i32
    %dma_wait3A_128 = arith.constant 0 : i32
    %dma_wait3A_129 = tpu.memref_slice %arg7[%dma_wait3A_127, %dma_wait3A_128] : memref<1000x128xf32, #tpu.memory_space<vmem_shared>> -> memref<1000x128xf32, #tpu.memory_space<vmem_shared>>
    tpu.wait_indirect_dma semaphore(%arg8 : memref<!tpu.dma_semaphore, #tpu.memory_space<semaphore_mem>>) src(%dma_wait3A_129 : memref<1000x128xf32, #tpu.memory_space<vmem_shared>>) dst(%dma_wait3A_124 : memref<64x128xf32, #tpu.memory_space<vmem>>)
    %add3A_130 = arith.constant 128 : i32
    %add3A_131 = arith.addi %mul3A_2, %add3A_130 : i32
    %dma_start3A_132 = arith.constant 128 : i32
    %dma_start3A_133 = arith.constant 0 : i32
    %dma_start3A_134 = tpu.memref_slice %arg6[%dma_start3A_132, %dma_start3A_133] : memref<512x128xf32, #tpu.memory_space<vmem>> -> memref<64x128xf32, #tpu.memory_space<vmem>>
    %dma_start3A_135 = arith.constant 0 : i32
    %dma_start3A_136 = tpu.memref_slice %arg4[%add3A_131, %dma_start3A_135] : memref<16384x128xf32, #tpu.memory_space<hbm>> -> memref<64x128xf32, #tpu.memory_space<hbm>>
    %dma_start3A_137 = arith.constant 0 : i32
    %dma_start3A_138 = tpu.memref_slice %arg4[%add3A_131, %dma_start3A_137] : memref<16384x128xf32, #tpu.memory_space<hbm>> -> memref<64x128xf32, #tpu.memory_space<hbm>>
    %dma_start3A_139 = arith.constant 128 : i32
    %dma_start3A_140 = arith.constant 0 : i32
    %dma_start3A_141 = tpu.memref_slice %arg6[%dma_start3A_139, %dma_start3A_140] : memref<512x128xf32, #tpu.memory_space<vmem>> -> memref<64x128xf32, #tpu.memory_space<vmem>>
    tpu.enqueue_dma source(%dma_start3A_141 : memref<64x128xf32, #tpu.memory_space<vmem>>) target(%dma_start3A_138 : memref<64x128xf32, #tpu.memory_space<hbm>>) target_semaphore(%arg9 : memref<!tpu.dma_semaphore, #tpu.memory_space<semaphore_mem>>)
    %dma_wait3A_142 = arith.constant 192 : i32
    %dma_wait3A_143 = arith.constant 0 : i32
    %dma_wait3A_144 = tpu.memref_slice %arg6[%dma_wait3A_142, %dma_wait3A_143] : memref<512x128xf32, #tpu.memory_space<vmem>> -> memref<64x128xf32, #tpu.memory_space<vmem>>
    %dma_wait3A_145 = arith.constant 192 : i32
    %dma_wait3A_146 = tpu.memref_slice %arg5[%dma_wait3A_145] : memref<512xi32, #tpu.memory_space<vmem>> -> memref<64xi32, #tpu.memory_space<vmem>>
    %dma_wait3A_147 = arith.constant 0 : i32
    %dma_wait3A_148 = arith.constant 0 : i32
    %dma_wait3A_149 = tpu.memref_slice %arg7[%dma_wait3A_147, %dma_wait3A_148] : memref<1000x128xf32, #tpu.memory_space<vmem_shared>> -> memref<1000x128xf32, #tpu.memory_space<vmem_shared>>
    tpu.wait_indirect_dma semaphore(%arg8 : memref<!tpu.dma_semaphore, #tpu.memory_space<semaphore_mem>>) src(%dma_wait3A_149 : memref<1000x128xf32, #tpu.memory_space<vmem_shared>>) dst(%dma_wait3A_144 : memref<64x128xf32, #tpu.memory_space<vmem>>)
    %add3A_150 = arith.constant 192 : i32
    %add3A_151 = arith.addi %mul3A_2, %add3A_150 : i32
    %dma_start3A_152 = arith.constant 192 : i32
    %dma_start3A_153 = arith.constant 0 : i32
    %dma_start3A_154 = tpu.memref_slice %arg6[%dma_start3A_152, %dma_start3A_153] : memref<512x128xf32, #tpu.memory_space<vmem>> -> memref<64x128xf32, #tpu.memory_space<vmem>>
    %dma_start3A_155 = arith.constant 0 : i32
    %dma_start3A_156 = tpu.memref_slice %arg4[%add3A_151, %dma_start3A_155] : memref<16384x128xf32, #tpu.memory_space<hbm>> -> memref<64x128xf32, #tpu.memory_space<hbm>>
    %dma_start3A_157 = arith.constant 0 : i32
    %dma_start3A_158 = tpu.memref_slice %arg4[%add3A_151, %dma_start3A_157] : memref<16384x128xf32, #tpu.memory_space<hbm>> -> memref<64x128xf32, #tpu.memory_space<hbm>>
    %dma_start3A_159 = arith.constant 192 : i32
    %dma_start3A_160 = arith.constant 0 : i32
    %dma_start3A_161 = tpu.memref_slice %arg6[%dma_start3A_159, %dma_start3A_160] : memref<512x128xf32, #tpu.memory_space<vmem>> -> memref<64x128xf32, #tpu.memory_space<vmem>>
    tpu.enqueue_dma source(%dma_start3A_161 : memref<64x128xf32, #tpu.memory_space<vmem>>) target(%dma_start3A_158 : memref<64x128xf32, #tpu.memory_space<hbm>>) target_semaphore(%arg9 : memref<!tpu.dma_semaphore, #tpu.memory_space<semaphore_mem>>)
    %dma_wait3A_162 = arith.constant 256 : i32
    %dma_wait3A_163 = arith.constant 0 : i32
    %dma_wait3A_164 = tpu.memref_slice %arg6[%dma_wait3A_162, %dma_wait3A_163] : memref<512x128xf32, #tpu.memory_space<vmem>> -> memref<64x128xf32, #tpu.memory_space<vmem>>
    %dma_wait3A_165 = arith.constant 256 : i32
    %dma_wait3A_166 = tpu.memref_slice %arg5[%dma_wait3A_165] : memref<512xi32, #tpu.memory_space<vmem>> -> memref<64xi32, #tpu.memory_space<vmem>>
    %dma_wait3A_167 = arith.constant 0 : i32
    %dma_wait3A_168 = arith.constant 0 : i32
    %dma_wait3A_169 = tpu.memref_slice %arg7[%dma_wait3A_167, %dma_wait3A_168] : memref<1000x128xf32, #tpu.memory_space<vmem_shared>> -> memref<1000x128xf32, #tpu.memory_space<vmem_shared>>
    tpu.wait_indirect_dma semaphore(%arg8 : memref<!tpu.dma_semaphore, #tpu.memory_space<semaphore_mem>>) src(%dma_wait3A_169 : memref<1000x128xf32, #tpu.memory_space<vmem_shared>>) dst(%dma_wait3A_164 : memref<64x128xf32, #tpu.memory_space<vmem>>)
    %add3A_170 = arith.constant 256 : i32
    %add3A_171 = arith.addi %mul3A_2, %add3A_170 : i32
    %dma_start3A_172 = arith.constant 256 : i32
    %dma_start3A_173 = arith.constant 0 : i32
    %dma_start3A_174 = tpu.memref_slice %arg6[%dma_start3A_172, %dma_start3A_173] : memref<512x128xf32, #tpu.memory_space<vmem>> -> memref<64x128xf32, #tpu.memory_space<vmem>>
    %dma_start3A_175 = arith.constant 0 : i32
    %dma_start3A_176 = tpu.memref_slice %arg4[%add3A_171, %dma_start3A_175] : memref<16384x128xf32, #tpu.memory_space<hbm>> -> memref<64x128xf32, #tpu.memory_space<hbm>>
    %dma_start3A_177 = arith.constant 0 : i32
    %dma_start3A_178 = tpu.memref_slice %arg4[%add3A_171, %dma_start3A_177] : memref<16384x128xf32, #tpu.memory_space<hbm>> -> memref<64x128xf32, #tpu.memory_space<hbm>>
    %dma_start3A_179 = arith.constant 256 : i32
    %dma_start3A_180 = arith.constant 0 : i32
    %dma_start3A_181 = tpu.memref_slice %arg6[%dma_start3A_179, %dma_start3A_180] : memref<512x128xf32, #tpu.memory_space<vmem>> -> memref<64x128xf32, #tpu.memory_space<vmem>>
    tpu.enqueue_dma source(%dma_start3A_181 : memref<64x128xf32, #tpu.memory_space<vmem>>) target(%dma_start3A_178 : memref<64x128xf32, #tpu.memory_space<hbm>>) target_semaphore(%arg9 : memref<!tpu.dma_semaphore, #tpu.memory_space<semaphore_mem>>)
    %dma_wait3A_182 = arith.constant 320 : i32
    %dma_wait3A_183 = arith.constant 0 : i32
    %dma_wait3A_184 = tpu.memref_slice %arg6[%dma_wait3A_182, %dma_wait3A_183] : memref<512x128xf32, #tpu.memory_space<vmem>> -> memref<64x128xf32, #tpu.memory_space<vmem>>
    %dma_wait3A_185 = arith.constant 320 : i32
    %dma_wait3A_186 = tpu.memref_slice %arg5[%dma_wait3A_185] : memref<512xi32, #tpu.memory_space<vmem>> -> memref<64xi32, #tpu.memory_space<vmem>>
    %dma_wait3A_187 = arith.constant 0 : i32
    %dma_wait3A_188 = arith.constant 0 : i32
    %dma_wait3A_189 = tpu.memref_slice %arg7[%dma_wait3A_187, %dma_wait3A_188] : memref<1000x128xf32, #tpu.memory_space<vmem_shared>> -> memref<1000x128xf32, #tpu.memory_space<vmem_shared>>
    tpu.wait_indirect_dma semaphore(%arg8 : memref<!tpu.dma_semaphore, #tpu.memory_space<semaphore_mem>>) src(%dma_wait3A_189 : memref<1000x128xf32, #tpu.memory_space<vmem_shared>>) dst(%dma_wait3A_184 : memref<64x128xf32, #tpu.memory_space<vmem>>)
    %add3A_190 = arith.constant 320 : i32
    %add3A_191 = arith.addi %mul3A_2, %add3A_190 : i32
    %dma_start3A_192 = arith.constant 320 : i32
    %dma_start3A_193 = arith.constant 0 : i32
    %dma_start3A_194 = tpu.memref_slice %arg6[%dma_start3A_192, %dma_start3A_193] : memref<512x128xf32, #tpu.memory_space<vmem>> -> memref<64x128xf32, #tpu.memory_space<vmem>>
    %dma_start3A_195 = arith.constant 0 : i32
    %dma_start3A_196 = tpu.memref_slice %arg4[%add3A_191, %dma_start3A_195] : memref<16384x128xf32, #tpu.memory_space<hbm>> -> memref<64x128xf32, #tpu.memory_space<hbm>>
    %dma_start3A_197 = arith.constant 0 : i32
    %dma_start3A_198 = tpu.memref_slice %arg4[%add3A_191, %dma_start3A_197] : memref<16384x128xf32, #tpu.memory_space<hbm>> -> memref<64x128xf32, #tpu.memory_space<hbm>>
    %dma_start3A_199 = arith.constant 320 : i32
    %dma_start3A_200 = arith.constant 0 : i32
    %dma_start3A_201 = tpu.memref_slice %arg6[%dma_start3A_199, %dma_start3A_200] : memref<512x128xf32, #tpu.memory_space<vmem>> -> memref<64x128xf32, #tpu.memory_space<vmem>>
    tpu.enqueue_dma source(%dma_start3A_201 : memref<64x128xf32, #tpu.memory_space<vmem>>) target(%dma_start3A_198 : memref<64x128xf32, #tpu.memory_space<hbm>>) target_semaphore(%arg9 : memref<!tpu.dma_semaphore, #tpu.memory_space<semaphore_mem>>)
    %dma_wait3A_202 = arith.constant 384 : i32
    %dma_wait3A_203 = arith.constant 0 : i32
    %dma_wait3A_204 = tpu.memref_slice %arg6[%dma_wait3A_202, %dma_wait3A_203] : memref<512x128xf32, #tpu.memory_space<vmem>> -> memref<64x128xf32, #tpu.memory_space<vmem>>
    %dma_wait3A_205 = arith.constant 384 : i32
    %dma_wait3A_206 = tpu.memref_slice %arg5[%dma_wait3A_205] : memref<512xi32, #tpu.memory_space<vmem>> -> memref<64xi32, #tpu.memory_space<vmem>>
    %dma_wait3A_207 = arith.constant 0 : i32
    %dma_wait3A_208 = arith.constant 0 : i32
    %dma_wait3A_209 = tpu.memref_slice %arg7[%dma_wait3A_207, %dma_wait3A_208] : memref<1000x128xf32, #tpu.memory_space<vmem_shared>> -> memref<1000x128xf32, #tpu.memory_space<vmem_shared>>
    tpu.wait_indirect_dma semaphore(%arg8 : memref<!tpu.dma_semaphore, #tpu.memory_space<semaphore_mem>>) src(%dma_wait3A_209 : memref<1000x128xf32, #tpu.memory_space<vmem_shared>>) dst(%dma_wait3A_204 : memref<64x128xf32, #tpu.memory_space<vmem>>)
    %add3A_210 = arith.constant 384 : i32
    %add3A_211 = arith.addi %mul3A_2, %add3A_210 : i32
    %dma_start3A_212 = arith.constant 384 : i32
    %dma_start3A_213 = arith.constant 0 : i32
    %dma_start3A_214 = tpu.memref_slice %arg6[%dma_start3A_212, %dma_start3A_213] : memref<512x128xf32, #tpu.memory_space<vmem>> -> memref<64x128xf32, #tpu.memory_space<vmem>>
    %dma_start3A_215 = arith.constant 0 : i32
    %dma_start3A_216 = tpu.memref_slice %arg4[%add3A_211, %dma_start3A_215] : memref<16384x128xf32, #tpu.memory_space<hbm>> -> memref<64x128xf32, #tpu.memory_space<hbm>>
    %dma_start3A_217 = arith.constant 0 : i32
    %dma_start3A_218 = tpu.memref_slice %arg4[%add3A_211, %dma_start3A_217] : memref<16384x128xf32, #tpu.memory_space<hbm>> -> memref<64x128xf32, #tpu.memory_space<hbm>>
    %dma_start3A_219 = arith.constant 384 : i32
    %dma_start3A_220 = arith.constant 0 : i32
    %dma_start3A_221 = tpu.memref_slice %arg6[%dma_start3A_219, %dma_start3A_220] : memref<512x128xf32, #tpu.memory_space<vmem>> -> memref<64x128xf32, #tpu.memory_space<vmem>>
    tpu.enqueue_dma source(%dma_start3A_221 : memref<64x128xf32, #tpu.memory_space<vmem>>) target(%dma_start3A_218 : memref<64x128xf32, #tpu.memory_space<hbm>>) target_semaphore(%arg9 : memref<!tpu.dma_semaphore, #tpu.memory_space<semaphore_mem>>)
    %dma_wait3A_222 = arith.constant 448 : i32
    %dma_wait3A_223 = arith.constant 0 : i32
    %dma_wait3A_224 = tpu.memref_slice %arg6[%dma_wait3A_222, %dma_wait3A_223] : memref<512x128xf32, #tpu.memory_space<vmem>> -> memref<64x128xf32, #tpu.memory_space<vmem>>
    %dma_wait3A_225 = arith.constant 448 : i32
    %dma_wait3A_226 = tpu.memref_slice %arg5[%dma_wait3A_225] : memref<512xi32, #tpu.memory_space<vmem>> -> memref<64xi32, #tpu.memory_space<vmem>>
    %dma_wait3A_227 = arith.constant 0 : i32
    %dma_wait3A_228 = arith.constant 0 : i32
    %dma_wait3A_229 = tpu.memref_slice %arg7[%dma_wait3A_227, %dma_wait3A_228] : memref<1000x128xf32, #tpu.memory_space<vmem_shared>> -> memref<1000x128xf32, #tpu.memory_space<vmem_shared>>
    tpu.wait_indirect_dma semaphore(%arg8 : memref<!tpu.dma_semaphore, #tpu.memory_space<semaphore_mem>>) src(%dma_wait3A_229 : memref<1000x128xf32, #tpu.memory_space<vmem_shared>>) dst(%dma_wait3A_224 : memref<64x128xf32, #tpu.memory_space<vmem>>)
    %add3A_230 = arith.constant 448 : i32
    %add3A_231 = arith.addi %mul3A_2, %add3A_230 : i32
    %dma_start3A_232 = arith.constant 448 : i32
    %dma_start3A_233 = arith.constant 0 : i32
    %dma_start3A_234 = tpu.memref_slice %arg6[%dma_start3A_232, %dma_start3A_233] : memref<512x128xf32, #tpu.memory_space<vmem>> -> memref<64x128xf32, #tpu.memory_space<vmem>>
    %dma_start3A_235 = arith.constant 0 : i32
    %dma_start3A_236 = tpu.memref_slice %arg4[%add3A_231, %dma_start3A_235] : memref<16384x128xf32, #tpu.memory_space<hbm>> -> memref<64x128xf32, #tpu.memory_space<hbm>>
    %dma_start3A_237 = arith.constant 0 : i32
    %dma_start3A_238 = tpu.memref_slice %arg4[%add3A_231, %dma_start3A_237] : memref<16384x128xf32, #tpu.memory_space<hbm>> -> memref<64x128xf32, #tpu.memory_space<hbm>>
    %dma_start3A_239 = arith.constant 448 : i32
    %dma_start3A_240 = arith.constant 0 : i32
    %dma_start3A_241 = tpu.memref_slice %arg6[%dma_start3A_239, %dma_start3A_240] : memref<512x128xf32, #tpu.memory_space<vmem>> -> memref<64x128xf32, #tpu.memory_space<vmem>>
    tpu.enqueue_dma source(%dma_start3A_241 : memref<64x128xf32, #tpu.memory_space<vmem>>) target(%dma_start3A_238 : memref<64x128xf32, #tpu.memory_space<hbm>>) target_semaphore(%arg9 : memref<!tpu.dma_semaphore, #tpu.memory_space<semaphore_mem>>)
    %dma_wait3A_242 = arith.constant 0 : i32
    %dma_wait3A_243 = arith.constant 0 : i32
    %dma_wait3A_244 = tpu.memref_slice %arg6[%dma_wait3A_242, %dma_wait3A_243] : memref<512x128xf32, #tpu.memory_space<vmem>> -> memref<64x128xf32, #tpu.memory_space<vmem>>
    %dma_wait3A_245 = arith.constant 0 : i32
    %dma_wait3A_246 = tpu.memref_slice %arg4[%add3A_91, %dma_wait3A_245] : memref<16384x128xf32, #tpu.memory_space<hbm>> -> memref<64x128xf32, #tpu.memory_space<hbm>>
    %dma_wait3A_247 = arith.constant 0 : i32
    %dma_wait3A_248 = tpu.memref_slice %arg4[%add3A_91, %dma_wait3A_247] : memref<16384x128xf32, #tpu.memory_space<hbm>> -> memref<64x128xf32, #tpu.memory_space<hbm>>
    %dma_wait3A_249 = arith.constant 0 : i32
    %dma_wait3A_250 = arith.constant 0 : i32
    %dma_wait3A_251 = tpu.memref_slice %arg6[%dma_wait3A_249, %dma_wait3A_250] : memref<512x128xf32, #tpu.memory_space<vmem>> -> memref<64x128xf32, #tpu.memory_space<vmem>>
    tpu.wait_dma2 semaphore(%arg9 : memref<!tpu.dma_semaphore, #tpu.memory_space<semaphore_mem>>) src(%dma_wait3A_251 : memref<64x128xf32, #tpu.memory_space<vmem>>) dst(%dma_wait3A_248 : memref<64x128xf32, #tpu.memory_space<hbm>>)
    %dma_wait3A_252 = arith.constant 64 : i32
    %dma_wait3A_253 = arith.constant 0 : i32
    %dma_wait3A_254 = tpu.memref_slice %arg6[%dma_wait3A_252, %dma_wait3A_253] : memref<512x128xf32, #tpu.memory_space<vmem>> -> memref<64x128xf32, #tpu.memory_space<vmem>>
    %dma_wait3A_255 = arith.constant 0 : i32
    %dma_wait3A_256 = tpu.memref_slice %arg4[%add3A_111, %dma_wait3A_255] : memref<16384x128xf32, #tpu.memory_space<hbm>> -> memref<64x128xf32, #tpu.memory_space<hbm>>
    %dma_wait3A_257 = arith.constant 0 : i32
    %dma_wait3A_258 = tpu.memref_slice %arg4[%add3A_111, %dma_wait3A_257] : memref<16384x128xf32, #tpu.memory_space<hbm>> -> memref<64x128xf32, #tpu.memory_space<hbm>>
    %dma_wait3A_259 = arith.constant 64 : i32
    %dma_wait3A_260 = arith.constant 0 : i32
    %dma_wait3A_261 = tpu.memref_slice %arg6[%dma_wait3A_259, %dma_wait3A_260] : memref<512x128xf32, #tpu.memory_space<vmem>> -> memref<64x128xf32, #tpu.memory_space<vmem>>
    tpu.wait_dma2 semaphore(%arg9 : memref<!tpu.dma_semaphore, #tpu.memory_space<semaphore_mem>>) src(%dma_wait3A_261 : memref<64x128xf32, #tpu.memory_space<vmem>>) dst(%dma_wait3A_258 : memref<64x128xf32, #tpu.memory_space<hbm>>)
    %dma_wait3A_262 = arith.constant 128 : i32
    %dma_wait3A_263 = arith.constant 0 : i32
    %dma_wait3A_264 = tpu.memref_slice %arg6[%dma_wait3A_262, %dma_wait3A_263] : memref<512x128xf32, #tpu.memory_space<vmem>> -> memref<64x128xf32, #tpu.memory_space<vmem>>
    %dma_wait3A_265 = arith.constant 0 : i32
    %dma_wait3A_266 = tpu.memref_slice %arg4[%add3A_131, %dma_wait3A_265] : memref<16384x128xf32, #tpu.memory_space<hbm>> -> memref<64x128xf32, #tpu.memory_space<hbm>>
    %dma_wait3A_267 = arith.constant 0 : i32
    %dma_wait3A_268 = tpu.memref_slice %arg4[%add3A_131, %dma_wait3A_267] : memref<16384x128xf32, #tpu.memory_space<hbm>> -> memref<64x128xf32, #tpu.memory_space<hbm>>
    %dma_wait3A_269 = arith.constant 128 : i32
    %dma_wait3A_270 = arith.constant 0 : i32
    %dma_wait3A_271 = tpu.memref_slice %arg6[%dma_wait3A_269, %dma_wait3A_270] : memref<512x128xf32, #tpu.memory_space<vmem>> -> memref<64x128xf32, #tpu.memory_space<vmem>>
    tpu.wait_dma2 semaphore(%arg9 : memref<!tpu.dma_semaphore, #tpu.memory_space<semaphore_mem>>) src(%dma_wait3A_271 : memref<64x128xf32, #tpu.memory_space<vmem>>) dst(%dma_wait3A_268 : memref<64x128xf32, #tpu.memory_space<hbm>>)
    %dma_wait3A_272 = arith.constant 192 : i32
    %dma_wait3A_273 = arith.constant 0 : i32
    %dma_wait3A_274 = tpu.memref_slice %arg6[%dma_wait3A_272, %dma_wait3A_273] : memref<512x128xf32, #tpu.memory_space<vmem>> -> memref<64x128xf32, #tpu.memory_space<vmem>>
    %dma_wait3A_275 = arith.constant 0 : i32
    %dma_wait3A_276 = tpu.memref_slice %arg4[%add3A_151, %dma_wait3A_275] : memref<16384x128xf32, #tpu.memory_space<hbm>> -> memref<64x128xf32, #tpu.memory_space<hbm>>
    %dma_wait3A_277 = arith.constant 0 : i32
    %dma_wait3A_278 = tpu.memref_slice %arg4[%add3A_151, %dma_wait3A_277] : memref<16384x128xf32, #tpu.memory_space<hbm>> -> memref<64x128xf32, #tpu.memory_space<hbm>>
    %dma_wait3A_279 = arith.constant 192 : i32
    %dma_wait3A_280 = arith.constant 0 : i32
    %dma_wait3A_281 = tpu.memref_slice %arg6[%dma_wait3A_279, %dma_wait3A_280] : memref<512x128xf32, #tpu.memory_space<vmem>> -> memref<64x128xf32, #tpu.memory_space<vmem>>
    tpu.wait_dma2 semaphore(%arg9 : memref<!tpu.dma_semaphore, #tpu.memory_space<semaphore_mem>>) src(%dma_wait3A_281 : memref<64x128xf32, #tpu.memory_space<vmem>>) dst(%dma_wait3A_278 : memref<64x128xf32, #tpu.memory_space<hbm>>)
    %dma_wait3A_282 = arith.constant 256 : i32
    %dma_wait3A_283 = arith.constant 0 : i32
    %dma_wait3A_284 = tpu.memref_slice %arg6[%dma_wait3A_282, %dma_wait3A_283] : memref<512x128xf32, #tpu.memory_space<vmem>> -> memref<64x128xf32, #tpu.memory_space<vmem>>
    %dma_wait3A_285 = arith.constant 0 : i32
    %dma_wait3A_286 = tpu.memref_slice %arg4[%add3A_171, %dma_wait3A_285] : memref<16384x128xf32, #tpu.memory_space<hbm>> -> memref<64x128xf32, #tpu.memory_space<hbm>>
    %dma_wait3A_287 = arith.constant 0 : i32
    %dma_wait3A_288 = tpu.memref_slice %arg4[%add3A_171, %dma_wait3A_287] : memref<16384x128xf32, #tpu.memory_space<hbm>> -> memref<64x128xf32, #tpu.memory_space<hbm>>
    %dma_wait3A_289 = arith.constant 256 : i32
    %dma_wait3A_290 = arith.constant 0 : i32
    %dma_wait3A_291 = tpu.memref_slice %arg6[%dma_wait3A_289, %dma_wait3A_290] : memref<512x128xf32, #tpu.memory_space<vmem>> -> memref<64x128xf32, #tpu.memory_space<vmem>>
    tpu.wait_dma2 semaphore(%arg9 : memref<!tpu.dma_semaphore, #tpu.memory_space<semaphore_mem>>) src(%dma_wait3A_291 : memref<64x128xf32, #tpu.memory_space<vmem>>) dst(%dma_wait3A_288 : memref<64x128xf32, #tpu.memory_space<hbm>>)
    %dma_wait3A_292 = arith.constant 320 : i32
    %dma_wait3A_293 = arith.constant 0 : i32
    %dma_wait3A_294 = tpu.memref_slice %arg6[%dma_wait3A_292, %dma_wait3A_293] : memref<512x128xf32, #tpu.memory_space<vmem>> -> memref<64x128xf32, #tpu.memory_space<vmem>>
    %dma_wait3A_295 = arith.constant 0 : i32
    %dma_wait3A_296 = tpu.memref_slice %arg4[%add3A_191, %dma_wait3A_295] : memref<16384x128xf32, #tpu.memory_space<hbm>> -> memref<64x128xf32, #tpu.memory_space<hbm>>
    %dma_wait3A_297 = arith.constant 0 : i32
    %dma_wait3A_298 = tpu.memref_slice %arg4[%add3A_191, %dma_wait3A_297] : memref<16384x128xf32, #tpu.memory_space<hbm>> -> memref<64x128xf32, #tpu.memory_space<hbm>>
    %dma_wait3A_299 = arith.constant 320 : i32
    %dma_wait3A_300 = arith.constant 0 : i32
    %dma_wait3A_301 = tpu.memref_slice %arg6[%dma_wait3A_299, %dma_wait3A_300] : memref<512x128xf32, #tpu.memory_space<vmem>> -> memref<64x128xf32, #tpu.memory_space<vmem>>
    tpu.wait_dma2 semaphore(%arg9 : memref<!tpu.dma_semaphore, #tpu.memory_space<semaphore_mem>>) src(%dma_wait3A_301 : memref<64x128xf32, #tpu.memory_space<vmem>>) dst(%dma_wait3A_298 : memref<64x128xf32, #tpu.memory_space<hbm>>)
    %dma_wait3A_302 = arith.constant 384 : i32
    %dma_wait3A_303 = arith.constant 0 : i32
    %dma_wait3A_304 = tpu.memref_slice %arg6[%dma_wait3A_302, %dma_wait3A_303] : memref<512x128xf32, #tpu.memory_space<vmem>> -> memref<64x128xf32, #tpu.memory_space<vmem>>
    %dma_wait3A_305 = arith.constant 0 : i32
    %dma_wait3A_306 = tpu.memref_slice %arg4[%add3A_211, %dma_wait3A_305] : memref<16384x128xf32, #tpu.memory_space<hbm>> -> memref<64x128xf32, #tpu.memory_space<hbm>>
    %dma_wait3A_307 = arith.constant 0 : i32
    %dma_wait3A_308 = tpu.memref_slice %arg4[%add3A_211, %dma_wait3A_307] : memref<16384x128xf32, #tpu.memory_space<hbm>> -> memref<64x128xf32, #tpu.memory_space<hbm>>
    %dma_wait3A_309 = arith.constant 384 : i32
    %dma_wait3A_310 = arith.constant 0 : i32
    %dma_wait3A_311 = tpu.memref_slice %arg6[%dma_wait3A_309, %dma_wait3A_310] : memref<512x128xf32, #tpu.memory_space<vmem>> -> memref<64x128xf32, #tpu.memory_space<vmem>>
    tpu.wait_dma2 semaphore(%arg9 : memref<!tpu.dma_semaphore, #tpu.memory_space<semaphore_mem>>) src(%dma_wait3A_311 : memref<64x128xf32, #tpu.memory_space<vmem>>) dst(%dma_wait3A_308 : memref<64x128xf32, #tpu.memory_space<hbm>>)
    %dma_wait3A_312 = arith.constant 448 : i32
    %dma_wait3A_313 = arith.constant 0 : i32
    %dma_wait3A_314 = tpu.memref_slice %arg6[%dma_wait3A_312, %dma_wait3A_313] : memref<512x128xf32, #tpu.memory_space<vmem>> -> memref<64x128xf32, #tpu.memory_space<vmem>>
    %dma_wait3A_315 = arith.constant 0 : i32
    %dma_wait3A_316 = tpu.memref_slice %arg4[%add3A_231, %dma_wait3A_315] : memref<16384x128xf32, #tpu.memory_space<hbm>> -> memref<64x128xf32, #tpu.memory_space<hbm>>
    %dma_wait3A_317 = arith.constant 0 : i32
    %dma_wait3A_318 = tpu.memref_slice %arg4[%add3A_231, %dma_wait3A_317] : memref<16384x128xf32, #tpu.memory_space<hbm>> -> memref<64x128xf32, #tpu.memory_space<hbm>>
    %dma_wait3A_319 = arith.constant 448 : i32
    %dma_wait3A_320 = arith.constant 0 : i32
    %dma_wait3A_321 = tpu.memref_slice %arg6[%dma_wait3A_319, %dma_wait3A_320] : memref<512x128xf32, #tpu.memory_space<vmem>> -> memref<64x128xf32, #tpu.memory_space<vmem>>
    tpu.wait_dma2 semaphore(%arg9 : memref<!tpu.dma_semaphore, #tpu.memory_space<semaphore_mem>>) src(%dma_wait3A_321 : memref<64x128xf32, #tpu.memory_space<vmem>>) dst(%dma_wait3A_318 : memref<64x128xf32, #tpu.memory_space<hbm>>)
    return
  }
}

module attributes {stable_mosaic.version = 14 : i64} {
  func.func @_fuse_body(%arg0: memref<1000x128xf32, #tpu.memory_space<vmem>>, %arg1: memref<128x128xf32, #tpu.memory_space<vmem>>, %arg2: memref<1x128xf32, #tpu.memory_space<vmem>>, %arg3: memref<1000x128xf32, #tpu.memory_space<vmem>>) attributes {dimension_semantics = [], scalar_prefetch = 0 : i64, scratch_operands = 0 : i64, tpu.core_type = #tpu.core_type<tc>} {
    %get3A = arith.constant 0 : index
    %get3A_0 = arith.constant 0 : index
    %get3A_1 = vector.load %arg0[%get3A, %get3A_0] : memref<1000x128xf32, #tpu.memory_space<vmem>>, vector<1000x128xf32>
    %get3A_2 = arith.constant 0 : index
    %get3A_3 = arith.constant 0 : index
    %get3A_4 = vector.load %arg1[%get3A_2, %get3A_3] : memref<128x128xf32, #tpu.memory_space<vmem>>, vector<128x128xf32>
    %dot_general3A = arith.constant dense<0.000000e+00> : vector<1000x128xf32>
    %dot_general3A_5 = tpu.matmul %get3A_1, %get3A_4, %dot_general3A {dimension_numbers = #tpu.dot_dimension_numbers<[1], [1], [0], [0], [0, 0, 1, 0], [], []>, transpose_lhs_hint = false} : vector<1000x128xf32>, vector<128x128xf32>, vector<1000x128xf32> -> vector<1000x128xf32>
    %get3A_6 = arith.constant 0 : index
    %get3A_7 = arith.constant 0 : index
    %get3A_8 = vector.load %arg2[%get3A_6, %get3A_7] : memref<1x128xf32, #tpu.memory_space<vmem>>, vector<1x128xf32>
    %add3A = vector.broadcast %get3A_8 : vector<1x128xf32> to vector<1000x128xf32>
    %add3A_9 = arith.addf %dot_general3A_5, %add3A : vector<1000x128xf32>
    %swap3A = arith.constant 0 : index
    %swap3A_10 = arith.constant 0 : index
    %swap3A_11 = vector.load %arg3[%swap3A, %swap3A_10] : memref<1000x128xf32, #tpu.memory_space<vmem>>, vector<1000x128xf32>
    tpu.vector_store %arg3[%swap3A, %swap3A_10], %add3A_9 {strides = array<i32>} : memref<1000x128xf32, #tpu.memory_space<vmem>>, vector<1000x128xf32>,
    return
  }
}

</mosaic_0001>

<sc_bundles>
// kernel: kernel.4.cloned.1.call-start
scs
__scs_entry_jumppad:
0x0: {  	(pc) =	sbr.rel $0x88, $3  }
0x1: {  	(tag) =	ssettag $0x0;
	lr =	simm.s32 $0x1  }
0x2: {  	[smem:$0x3F9D] =	sst lr;
	_ =	strace $0xD0000000  }
0x3: {  	_ = 	snop  }
0x4: {  	_ = 	snop  }
0x5: {  	_ = 	snop  }
0x6: {  	_ = 	snop  }
0x7: {  	_ = 	snop  }
__scs_overlays_trampoline_lowered:
0x8: {  	[smem:$0x3FAC] =	sst s0  }
0x9: {  	[smem:$0x3FAD] =	sst s1  }
0xa: {  	[smem:$0x3FAE] =	sst s2  }
0xb: {  	[smem:$0x3FAF] =	sst s3  }
0xc: {  	[smem:$0x3FB0] =	sst s4  }
0xd: {  	[smem:$0x3FB1] =	sst s5  }
0xe: {  	[smem:$0x3FB2] =	sst s6  }
0xf: {  	[smem:$0x3FB3] =	sst s7  }
0x10: {  	[smem:$0x3FB4] =	sst s8  }
0x11: {  	[smem:$0x3FB5] =	sst s9;
	s0 =	simm.s32 @!p0 $0x0  }
0x12: {  	s1 =	sld [smem:$0x3F9B];
	s0 =	simm.s32 @p0 $0x1  }
0x13: {  	[smem:$0x3FB6] =	sst s0;
	s0 =	simm.s32 @!p1 $0x0  }
0x14: {  	s2 =	sld [smem:$0x3F9A];
	s0 =	simm.s32 @p1 $0x1  }
0x15: {  	[smem:$0x3FB7] =	sst s0;
	s0 =	simm.s32 @!p2 $0x0  }
0x16: {  	s3 =	sld [smem:$0x3FDB];
	s0 =	simm.s32 @p2 $0x1  }
0x17: {  	s4 =	simm.s32 $0x1BF5;
	[smem:$0x3FB9] =	sst s0  }
0x18: {  	s0 =	sld [smem:$0x3F9C];
	_ =	swait.ge [sflag:s4], $0x0  }
0x19: {  	s7 =	sld [smem:$0x3F9D]  }
0x1a: {  	s8 =	sadd.s32 $0xFFFFE003, lr  }
0x1b: {  	s9 =	sadd.s32 $0xFFFFFEF7, lr;
	s5 =	simm.s32 $0xFFFFFFFF;
	p2 =	slt.u32 s8, $0xFFFFF086  }
0x1c: {  	p1 =	slt.u32 s9, $0xF7A;
	s5 =	simm.s32 @!p2 $0x0  }
0x1d: {  	s5 =	simm.s32 @p1 $0x1;
	p0 =	seq.s32 s7, s2  }
0x1e: {  	s7 =	smul.u32 @!p0 $0xF7A, s2;
	p2 =	seq.s32 @!p0 s5, $0x0  }
0x1f: {  	s9 =	smul.u32 $0xF7A, s1;
	s8 =	simm.s32 @!p0 $0x1BF5;
	p2 =	por !p2, p0  }
0x20: {  	[sflag:s8] =	ssyncset.s32 @!p0 $0xFFFFF086;
	s6 =	sadd.s32 @!p0 s3, s7;
	s7 =	simm.s32 @!p0 $0x108  }
0x21: {  	s3 =	sadd.s32 s3, s9;
	s6 =	sadd.s32 @!p0 $0x88, s6;
	s7 =	simm.s32 @p2 $0x1082  }
0x22: {  	[simem:s7], [sflag:s8] =	dma.local @!p0 [hbm:s6], $0xF7A  }
0x23: {  	s9 =	sor.u32 $0xD0000000, s2;
	s6 =	simm.s32 $0x108;
	_ =	swait.ge @!p0 [sflag:s8], $0x0  }
0x24: {  	s3 =	sadd.s32 $0x88, s3;
	s6 =	simm.s32 @!p1 $0x1082;
	[sflag:s4] =	ssyncset.s32 $0xFFFFF086  }
0x25: {  	[simem:s6], [sflag:s4] =	dma.local [hbm:s3], $0xF7A  }
0x26: {  	[smem:$0x3F9D] =	sst s1;
	(tag) =	ssettag s2;
	_ =	strace s9  }
0x27: {  	s1 =	sld [smem:$0x3FAD]  }
0x28: {  	s2 =	sld [smem:$0x3FAE]  }
0x29: {  	s4 =	sld [smem:$0x3FB0]  }
0x2a: {  	p0 =	seq.s32 s5, $0x0;
	s5 =	sld [smem:$0x3FB1]  }
0x2b: {  	s6 =	sld [smem:$0x3FB2]  }
0x2c: {  	s7 =	sld [smem:$0x3FB3]  }
0x2d: {  	s3 =	simm.s32 $0x108;
	s8 =	sld [smem:$0x3FB4]  }
0x2e: {  	s3 =	simm.s32 @!p0 $0x1082;
	s9 =	sld [smem:$0x3FB5]  }
0x2f: {  	lr =	sadd.s32 s0, s3;
	s0 =	sld [smem:$0x3FAC]  }
0x30: {  	s3 =	sld [smem:$0x3FAF]  }
0x31: {  	[smem:$0x3FB8] =	sst s10  }
0x32: {  	s10 =	sld [smem:$0x3FB6];
	_ =	sdelay $0x3  }
0x33: {  	p0 =	seq.s32 s10, $0x1;
	s10 =	sld [smem:$0x3FB8];
	_ =	sdelay $0x3  }
0x34: {  	[smem:$0x3FB8] =	sst s10  }
0x35: {  	s10 =	sld [smem:$0x3FB7];
	_ =	sdelay $0x3  }
0x36: {  	p1 =	seq.s32 s10, $0x1;
	s10 =	sld [smem:$0x3FB8];
	_ =	sdelay $0x3  }
0x37: {  	[smem:$0x3FB8] =	sst s10  }
0x38: {  	s10 =	sld [smem:$0x3FB9]  }
0x39: {  	_ = 	snop;
	(pc) =	sbr.ind lr, $3  }
0x3a: {  	_ = 	snop  }
0x3b: {  	_ = 	snop  }
0x3c: {  	p2 =	seq.s32 s10, $0x1;
	s10 =	sld [smem:$0x3FB8]  }
0x3d: {  	_ =	shalt  }
0x3e: {  	_ =	shalt  }
0x3f: {  	_ =	shalt  }
0x40: {  	_ =	shalt  }
0x41: {  	_ =	shalt  }
0x42: {  	_ =	shalt  }
0x43: {  	_ =	shalt  }
0x44: {  	_ =	shalt  }
0x45: {  	_ =	shalt  }
0x46: {  	_ =	shalt  }
0x47: {  	_ =	shalt  }
0x48: {  	_ =	shalt  }
0x49: {  	_ =	shalt  }
0x4a: {  	_ =	shalt  }
0x4b: {  	_ =	shalt  }
0x4c: {  	_ =	shalt  }
0x4d: {  	_ =	shalt  }
0x4e: {  	_ =	shalt  }
0x4f: {  	_ =	shalt  }
0x50: {  	_ =	shalt  }
0x51: {  	_ =	shalt  }
0x52: {  	_ =	shalt  }
0x53: {  	_ =	shalt  }
0x54: {  	_ =	shalt  }
0x55: {  	_ =	shalt  }
0x56: {  	_ =	shalt  }
0x57: {  	_ =	shalt  }
0x58: {  	_ =	shalt  }
0x59: {  	_ =	shalt  }
0x5a: {  	_ =	shalt  }
0x5b: {  	_ =	shalt  }
0x5c: {  	_ =	shalt  }
0x5d: {  	_ =	shalt  }
0x5e: {  	_ =	shalt  }
0x5f: {  	_ =	shalt  }
0x60: {  	_ =	shalt  }
0x61: {  	_ =	shalt  }
0x62: {  	_ =	shalt  }
0x63: {  	_ =	shalt  }
0x64: {  	_ =	shalt  }
0x65: {  	_ =	shalt  }
0x66: {  	_ =	shalt  }
0x67: {  	_ =	shalt  }
0x68: {  	_ =	shalt  }
0x69: {  	_ =	shalt  }
0x6a: {  	_ =	shalt  }
0x6b: {  	_ =	shalt  }
0x6c: {  	_ =	shalt  }
0x6d: {  	_ =	shalt  }
0x6e: {  	_ =	shalt  }
0x6f: {  	_ =	shalt  }
0x70: {  	_ =	shalt  }
0x71: {  	_ =	shalt  }
0x72: {  	_ =	shalt  }
0x73: {  	_ =	shalt  }
0x74: {  	_ =	shalt  }
0x75: {  	_ =	shalt  }
0x76: {  	_ =	shalt  }
0x77: {  	_ =	shalt  }
0x78: {  	_ =	shalt  }
0x79: {  	_ =	shalt  }
0x7a: {  	_ =	shalt  }
0x7b: {  	_ =	shalt  }
0x7c: {  	_ =	shalt  }
0x7d: {  	_ =	shalt  }
0x7e: {  	_ =	shalt  }
0x7f: {  	_ =	shalt  }
0x80: {  	_ =	shalt  }
0x81: {  	_ =	shalt  }
0x82: {  	_ =	shalt  }
0x83: {  	_ =	shalt  }
0x84: {  	_ =	shalt  }
0x85: {  	_ =	shalt  }
0x86: {  	_ =	shalt  }
0x87: {  	_ =	shalt  }
.Lfunc_end0:
.L_simem_size_0:
called_computation_lowered:
.L_overlay_start_0:
0x88: {  	s2 =	sld [smem:$0x3FD9]  }
0x89: {  	s3 =	sld [smem:$0x3FFE];
	_ =	sdelay $0x1  }
0x8a: {  	s1 =	srdreg.scid  }
0x8b: {  	s0 =	sand.u32 $0x1, s1  }
0x8c: {  	s17 =	sshll.u32 s0, $0xA;
	s2 =	sadd.s32 s3, s2  }
0x8d: {  	s2 =	sadd.s32 s2, s17  }
0x8e: {  	[smem:$0x3FC4] =	sst s2  }
0x8f: {  	_ = 	snop  }
0x90: {  	s2 =	sld [smem:$0x3FC9]  }
0x91: {  	s18 =	sld [smem:$0x3FD0];
	(tm) =	ssettm $0x1  }
0x92: {  	s4 =	sld [smem:$0x3FFB];
	_ =	sdelay $0x3  }
0x93: {  	_ =	strace s4  }
0x94: {  	s4 =	sld [smem:$0x3FFC];
	_ =	sdelay $0x3  }
0x95: {  	_ =	strace s4  }
0x96: {  	s4 =	sld [smem:$0x3FFD];
	_ =	sdelay $0x3  }
0x97: {  	_ =	strace s4  }
0x98: {  	_ =	strace $0x8FFFFFFF  }
0x99: {  	s19 =	sld [smem:$0x3FDB];
	_ =	sdelay $0x1  }
0x9a: {  	s5 =	simm.s32 $_scs_section_size  }
0x9b: {  	s6 =	simm.s32 $_size__tile_overlayer_lowered;
	s7 =	simm.s32 $_tile_overlayer_lowered  }
0x9c: {  	s22 =	simm.s32 $0x1BFF;
	s21 =	sshll.u32 s7, $0x1;
	s4 =	sadd.s32 s5, s19  }
0x9d: {  	s8 =	simm.s32 $0x0;
	s20 =	sshll.u32 s6, $0x1;
	s6 =	sadd.s32 s21, s4  }
0x9e: {  	[timem:s8], [sflag:s22] =	dma.local [hbm:s6], s20  }
0x9f: {  	_ =	swait.ge [sflag:s22], s20  }
0xa0: {  	s5 =	ssub.s32 $0x0, s20;
	[sflag:s22] =	ssyncset.done $0x0  }
0xa1: {  	[sflag:s22] =	ssyncadd.s32 s5;
	_ =	sdelay $0x1  }
0xa2: {  	s23 =	simm.s32 $0x1B8B  }
0xa3: {  	_ =	swait.ge [sflag:s23], $0x1  }
0xa4: {  	[sflag:s23] =	ssyncset.done $0x0  }
0xa5: {  	s25 =	simm.s32 $0x1B8E;
	s24 =	sld [smem:$0x3FFE];
	[sflag:s23] =	ssyncadd.s32 $0xFFFFFFFF  }
0xa6: {  	s26 =	simm.s32 $execute0_lowered;
	[smem:$0x3FD2] =	sst s25  }
0xa7: {  	s6 =	sshll.u32 s26, $0x1;
	_ =	strace $0x80000046;
	[dreg:$0x1] =	wrdreg $0xFFFFFFFF  }
0xa8: {  	s28 =	simm.s32 $_size_execute0_lowered;
	s4 =	sadd.s32 s4, s6;
	[dreg:$0x0] =	wrdreg $0x0  }
0xa9: {  	s6 =	sshll.u32 s28, $0x1;
	[dreg:$0x2] =	wrdreg s4  }
0xaa: {  	[dreg:$0x3] =	wrdreg s6  }
0xab: {  	[dreg:$0x4] =	wrdreg $0xC0  }
0xac: {  	_ =	task [dreg:s8], $0x5FFFF  }
0xad: {  	[dreg:$0x1] =	wrdreg $0xFFFFFFFF  }
0xae: {  	[dreg:$0x0] =	wrdreg $0x60  }
0xaf: {  	[dreg:$0x2] =	wrdreg s2  }
0xb0: {  	[dreg:$0x3] =	wrdreg s24  }
0xb1: {  	[dreg:$0x4] =	wrdreg s18  }
0xb2: {  	[dreg:$0x5] =	wrdreg $0x102000  }
0xb3: {  	[dreg:$0x6] =	wrdreg $0x9  }
0xb4: {  	_ =	task.clear_ibuf [dreg:s8], $0x7FFFF;
	_ =	strace $0x90000046  }
0xb5: {  	s29 =	simm.s32 $0x9;
	_ =	strace $0x80000048  }
0xb6: {  	_ =	swait.ge [sflag:s29], $0x1  }
0xb7: {  	[sflag:s29] =	ssyncadd.s32 $0xFFFFFFFF  }
0xb8: {  	_ =	strace $0x90000048  }
0xb9: {  	_ =	sfence  }
0xba: {  	s30 =	sld [smem:$0x0];
	_ =	sdelay $0x2  }
0xbb: {  	s31 =	sshll.u32 s1, $0xD;
	s1 =	sshrl.u32 s1, $0x2  }
0xbc: {  	s3 =	sand.u32 $0x4000, s31;
	s1 =	sadd.s32 s1, s30  }
0xbd: {  	s0 =	sor.u32 s3, s0;
	s1 =	sshll.u32 s1, $0x11  }
0xbe: {  	s0 =	sor.u32 s1, s0  }
0xbf: {  	s0 =	sadd.s32 $0x8F2B, s0  }
0xc0: {  	[sflag:s0] =	ssyncadd.remote.s32 $0x1  }
0xc1: {  	_ =	sfence.sel $0xFFFF  }
0xc2: {  	[dreg:$0x0] =	wrdreg $0xFFFFFFFF;
	(pc) =	sbr.abs _section_cstart, $3  }
0xc3: {  	[dreg:$0x1] =	wrdreg $0xFFFFFFFF  }
0xc4: {  	_ =	task.clear_ibuf [dreg:s8], $0x2FFFF;
	_ =	strace $0x9FFFFFFF  }
0xc5: {  	(tm) =	ssettm $0x7FFFFFFF  }
tec
execute0_lowered:
.L_overlay_start_1:
0x0: {  	(tag) =	ssettag $0x1  }
0x1: {  	s0 =	rddreg [dreg:$0x0]  }
0x2: {  	s4 =	rddreg [dreg:$0x1]  }
0x3: {  	s5 =	rddreg [dreg:$0x2]  }
0x4: {  	s2 =	rddreg [dreg:$0x3];
	s1 =	srdreg.scid  }
0x5: {  	s9 =	stileid.u32;
	s3 =	simm.s32 $0x0;
	s1 =	sand.u32 $0x1, s1  }
0x6: {  	s6 =	sshll.u32 s9, $0xA;
	[smem:$0x7FF] =	sst s3;
	s15 =	sadd.s32 $0xC00, s4  }
0x7: {  	s16 =	sadd.s32 $0x3C00, s4;
	_ =	strace $0x80000047;
	[dreg:$0x5] =	wrdreg s15  }
0x8: {  	s17 =	sadd.s32 $0x2C00, s4;
	s18 =	sadd.s32 $0x1C00, s4;
	[dreg:$0x7] =	wrdreg s16  }
0x9: {  	p3 =	sgt.s32 s9, $0x7;
	s7 =	sshll.u32 s1, $0x9;
	[dreg:$0x8] =	wrdreg s17  }
0xa: {  	[dreg:$0x9] =	wrdreg s18;
	p1 =	seq.s32 @p3 s9, $0x8;
	s6 =	sor.u32 s7, s6  }
0xb: {  	p4 =	seq.s32 @!p3 s9, $0x0;
	s8 =	sshrl.u32 s6, $0x3;
	s6 =	sshll.u32 s6, $0x4  }
0xc: {  	s7 =	sadd.s32 $0x8000, s2;
	s0 =	sadd.s32 s0, s8;
	s4 =	sadd.s32 s5, s6  }
0xd: {  	p2 =	por p1, !p3;
	[dreg:$0x6] =	wrdreg s0;
	s19 =	sadd.s32 $0x400, s4  }
0xe: {  	p0 =	por !p1, !p3;
	s20 =	sadd.s32 $0x800, s4;
	[dreg:$0xa] =	wrdreg s19  }
0xf: {  	p5 =	por p4, p3;
	s21 =	sadd.s32 $0xC00, s4;
	[dreg:$0xb] =	wrdreg s20  }
0x10: {  	p2 =	seq.s32 @!p2 s9, $0xC;
	s22 =	sadd.s32 $0x1000, s4;
	[dreg:$0xc] =	wrdreg s21  }
0x11: {  	s5 =	sadd.s32 $0x18000, s2;
	s23 =	sadd.s32 $0x1400, s4;
	[dreg:$0xd] =	wrdreg s22  }
0x12: {  	s6 =	sadd.s32 $0x10000, s2;
	s24 =	sadd.s32 $0x1800, s4;
	[dreg:$0xe] =	wrdreg s23  }
0x13: {  	p1 =	por @p3 !p2, p1;
	s25 =	sadd.s32 $0x1C00, s4;
	[dreg:$0xf] =	wrdreg s24  }
0x14: {  	p2 =	seq.s32 @!p5 s9, $0x4;
	s0 =	sshrl.u32 @!p0 s6, $0x3;
	[dreg:$0x10] =	wrdreg s25  }
0x15: {  	p1 =	por p1, !p3;
	p2 =	por @!p3 !p2, p4;
	[dreg:$0x12] =	wrdreg s0  }
0x16: {  	s0 =	sshrl.u32 @!p1 s5, $0x3;
	p2 =	por p2, p3;
	s26 =	rddreg [dreg:$0x6]  }
0x17: {  	[dreg:$0x11] =	wrdreg s0;
	s0 =	sshrl.u32 @!p2 s7, $0x3  }
0x18: {  	[tilespmem:s3], [sflag:$0x3] =	stream.linear.gather [hbm4b:s26+s3], $0x200, $0x38;
	[tilespmem:$0x12140] =	vst v63  }
0x19: {  	s5 =	simm.s32 $0x3;
	[dreg:$0x13] =	wrdreg s0  }
0x1a: {  	_ =	swait.ge [sflag:s5], $0x200  }
0x1b: {  	s6 =	simm.s32 @!p0 $0x1E03;
	s0 =	rddreg [dreg:$0x8];
	[sflag:s5] =	ssyncset.done $0x0  }
0x1c: {  	s7 =	simm.s32 @!p0 $0x3;
	s8 =	rddreg [dreg:$0x12];
	[sflag:s5] =	ssyncadd.s32 $0xFFFFFE00  }
0x1d: {  	[spmem:s8], [sflag:s6] =	dma.local @!p0 [hbm:s0], $0x1000  }
0x1e: {  	_ =	swait.ge @!p0 [sflag:s7], $0x1000  }
0x1f: {  	s9 =	simm.s32 @!p1 $0x3;
	s0 =	rddreg [dreg:$0x7];
	[sflag:s7] =	ssyncset.done @!p0 $0x0  }
0x20: {  	s6 =	simm.s32 @!p1 $0x1F03;
	s10 =	rddreg [dreg:$0x11];
	[sflag:s7] =	ssyncadd.s32 @!p0 $0xFFFFF000  }
0x21: {  	[spmem:s10], [sflag:s6] =	dma.local @!p1 [hbm:s0], $0xE80  }
0x22: {  	p3 =	por !p4, p3;
	_ =	swait.ge @!p1 [sflag:s9], $0xE80  }
0x23: {  	s12 =	simm.s32 @!p3 $0x3;
	s10 =	sshrl.u32 @!p3 s2, $0x3;
	[sflag:s9] =	ssyncset.done @!p1 $0x0  }
0x24: {  	s6 =	simm.s32 @!p3 $0x1C03;
	s0 =	rddreg [dreg:$0x5];
	[sflag:s9] =	ssyncadd.s32 @!p1 $0xFFFFF180  }
0x25: {  	[spmem:s10], [sflag:s6] =	dma.local @!p3 [hbm:s0], $0x1000  }
0x26: {  	_ =	swait.ge @!p3 [sflag:s12], $0x1000  }
0x27: {  	s13 =	simm.s32 @!p2 $0x1D03;
	s0 =	rddreg [dreg:$0x9];
	[sflag:s12] =	ssyncset.done @!p3 $0x0  }
0x28: {  	s14 =	simm.s32 @!p2 $0x3;
	s15 =	rddreg [dreg:$0x13];
	[sflag:s12] =	ssyncadd.s32 @!p3 $0xFFFFF000  }
0x29: {  	[spmem:s15], [sflag:s13] =	dma.local @!p2 [hbm:s0], $0x1000  }
0x2a: {  	_ =	swait.ge @!p2 [sflag:s14], $0x1000  }
0x2b: {  	[sflag:s14] =	ssyncset.done @!p2 $0x0  }
0x2c: {  	[sflag:s14] =	ssyncadd.s32 @!p2 $0xFFFFF000  }
0x2d: {  	s16 =	simm.s32 $0x200;
	s15 =	simm.s32 $0x40;
	[bflag:$0x0] =	sbarrier.arrive $0xFFFF  }
0x2e: {  	[tilespmem:s16], [sflag:$0x1] =	stream.indirect.gather [spmem:s2], $0x80, s3, s15, $0xb8;
	[tilespmem:$0x12140] =	vst v63  }
0x2f: {  	s17 =	simm.s32 $0x2200  }
0x30: {  	[tilespmem:s17], [sflag:$0x1] =	stream.indirect.gather [spmem:s2], $0x80, s15, s15, $0xb8;
	[tilespmem:$0x12140] =	vst v63  }
0x31: {  	s18 =	simm.s32 $0x80;
	s19 =	simm.s32 $0x4200  }
0x32: {  	[tilespmem:s19], [sflag:$0x1] =	stream.indirect.gather [spmem:s2], $0x80, s18, s15, $0xb8;
	[tilespmem:$0x12140] =	vst v63  }
0x33: {  	s20 =	simm.s32 $0xC0;
	s21 =	simm.s32 $0x6200  }
0x34: {  	[tilespmem:s21], [sflag:$0x1] =	stream.indirect.gather [spmem:s2], $0x80, s20, s15, $0xb8;
	[tilespmem:$0x12140] =	vst v63  }
0x35: {  	s22 =	simm.s32 $0x100;
	s23 =	simm.s32 $0x8200  }
0x36: {  	[tilespmem:s23], [sflag:$0x1] =	stream.indirect.gather [spmem:s2], $0x80, s22, s15, $0xb8;
	[tilespmem:$0x12140] =	vst v63  }
0x37: {  	s24 =	simm.s32 $0x140;
	s25 =	simm.s32 $0xA200  }
0x38: {  	[tilespmem:s25], [sflag:$0x1] =	stream.indirect.gather [spmem:s2], $0x80, s24, s15, $0xb8;
	[tilespmem:$0x12140] =	vst v63  }
0x39: {  	s28 =	simm.s32 $0xC200;
	s26 =	simm.s32 $0x180  }
0x3a: {  	[tilespmem:s28], [sflag:$0x1] =	stream.indirect.gather [spmem:s2], $0x80, s26, s15, $0xb8;
	[tilespmem:$0x12140] =	vst v63  }
0x3b: {  	s29 =	simm.s32 $0x1C0;
	s30 =	simm.s32 $0xE200;
	s31 =	simm.s32 $0x1  }
0x3c: {  	[tilespmem:s30], [sflag:$0x1] =	stream.indirect.gather [spmem:s2], $0x80, s29, s15, $0xb8;
	[tilespmem:$0x12140] =	vst v63  }
0x3d: {  	_ =	swait.ge [sflag:s31], $0x2000  }
0x3e: {  	[sflag:s31] =	ssyncset.done $0x0  }
0x3f: {  	[sflag:s31] =	ssyncadd.s32 $0xFFFFE000  }
0x40: {  	[hbm4b:s4+s3] =	stream.linear.scatter [tilespmem:s16], [sflag:$0x2], $0x2000, $0x38;
	[tilespmem:$0x12140] =	vst v63  }
0x41: {  	_ =	swait.ge [sflag:s31], $0x2000  }
0x42: {  	[sflag:s31] =	ssyncset.done $0x0  }
0x43: {  	s8 =	rddreg [dreg:$0xa];
	[sflag:s31] =	ssyncadd.s32 $0xFFFFE000  }
0x44: {  	[hbm4b:s8+s3] =	stream.linear.scatter [tilespmem:s17], [sflag:$0x2], $0x2000, $0x38;
	[tilespmem:$0x12140] =	vst v63  }
0x45: {  	_ =	swait.ge [sflag:s31], $0x2000  }
0x46: {  	[sflag:s31] =	ssyncset.done $0x0  }
0x47: {  	s11 =	rddreg [dreg:$0xb];
	[sflag:s31] =	ssyncadd.s32 $0xFFFFE000  }
0x48: {  	[hbm4b:s11+s3] =	stream.linear.scatter [tilespmem:s19], [sflag:$0x2], $0x2000, $0x38;
	[tilespmem:$0x12140] =	vst v63  }
0x49: {  	_ =	swait.ge [sflag:s31], $0x2000  }
0x4a: {  	[sflag:s31] =	ssyncset.done $0x0  }
0x4b: {  	s6 =	rddreg [dreg:$0xc];
	[sflag:s31] =	ssyncadd.s32 $0xFFFFE000  }
0x4c: {  	[hbm4b:s6+s3] =	stream.linear.scatter [tilespmem:s21], [sflag:$0x2], $0x2000, $0x38;
	[tilespmem:$0x12140] =	vst v63  }
0x4d: {  	_ =	swait.ge [sflag:s31], $0x2000  }
0x4e: {  	[sflag:s31] =	ssyncset.done $0x0  }
0x4f: {  	s8 =	rddreg [dreg:$0xd];
	[sflag:s31] =	ssyncadd.s32 $0xFFFFE000  }
0x50: {  	[hbm4b:s8+s3] =	stream.linear.scatter [tilespmem:s23], [sflag:$0x2], $0x2000, $0x38;
	[tilespmem:$0x12140] =	vst v63  }
0x51: {  	_ =	swait.ge [sflag:s31], $0x2000  }
0x52: {  	[sflag:s31] =	ssyncset.done $0x0  }
0x53: {  	s11 =	rddreg [dreg:$0xe];
	[sflag:s31] =	ssyncadd.s32 $0xFFFFE000  }
0x54: {  	[hbm4b:s11+s3] =	stream.linear.scatter [tilespmem:s25], [sflag:$0x2], $0x2000, $0x38;
	[tilespmem:$0x12140] =	vst v63  }
0x55: {  	_ =	swait.ge [sflag:s31], $0x2000  }
0x56: {  	[sflag:s31] =	ssyncset.done $0x0  }
0x57: {  	s6 =	rddreg [dreg:$0xf];
	[sflag:s31] =	ssyncadd.s32 $0xFFFFE000  }
0x58: {  	[hbm4b:s6+s3] =	stream.linear.scatter [tilespmem:s28], [sflag:$0x2], $0x2000, $0x38;
	[tilespmem:$0x12140] =	vst v63  }
0x59: {  	_ =	swait.ge [sflag:s31], $0x2000  }
0x5a: {  	[sflag:s31] =	ssyncset.done $0x0  }
0x5b: {  	s0 =	simm.s32 $0x2;
	s8 =	rddreg [dreg:$0x10];
	[sflag:s31] =	ssyncadd.s32 $0xFFFFE000  }
0x5c: {  	[hbm4b:s8+s3] =	stream.linear.scatter [tilespmem:s30], [sflag:$0x2], $0x2000, $0x38;
	[tilespmem:$0x12140] =	vst v63  }
0x5d: {  	_ =	swait.ge [sflag:s0], $0x2000  }
0x5e: {  	[sflag:s0] =	ssyncset.done $0x0  }
0x5f: {  	[sflag:s0] =	ssyncadd.s32 $0xFFFFE000  }
0x60: {  	_ =	swait.ge [sflag:s0], $0x2000  }
0x61: {  	[sflag:s0] =	ssyncset.done $0x0  }
0x62: {  	[sflag:s0] =	ssyncadd.s32 $0xFFFFE000  }
0x63: {  	_ =	swait.ge [sflag:s0], $0x2000  }
0x64: {  	[sflag:s0] =	ssyncset.done $0x0  }
0x65: {  	[sflag:s0] =	ssyncadd.s32 $0xFFFFE000  }
0x66: {  	s11 =	ssub.s32 $0x2, s1;
	_ =	swait.ge [sflag:s0], $0x2000  }
0x67: {  	s1 =	sshrl.u32 s11, $0x1;
	[sflag:s0] =	ssyncset.done $0x0  }
0x68: {  	s1 =	ssub.s32 s11, s1;
	[sflag:s0] =	ssyncadd.s32 $0xFFFFE000  }
0x69: {  	s1 =	smax.u32 s1, $0x1;
	_ =	swait.ge [sflag:s0], $0x2000  }
0x6a: {  	s1 =	sadd.s32 $0xFFFFFFFF, s1;
	[sflag:s0] =	ssyncset.done $0x0  }
0x6b: {  	p4 =	sne.s32 s1, $0x0;
	[sflag:s0] =	ssyncadd.s32 $0xFFFFE000  }
.Ltmp0:
0x6c: {  	_ =	swait.ge [sflag:s0], $0x2000;
	(pc) =	sbr.rel @!p4 .LBB2_2-.Ltmp0, $4  }
0x6d: {  	[sflag:s0] =	ssyncset.done $0x0  }
0x6e: {  	[sflag:s0] =	ssyncadd.s32 $0xFFFFE000  }
0x6f: {  	_ =	swait.ge [sflag:s0], $0x2000  }
0x70: {  	[sflag:s0] =	ssyncset.done $0x0  }
.LBB2_1:
0x71: {  	[sflag:s0] =	ssyncadd.s32 $0xFFFFE000  }
0x72: {  	_ =	swait.ge [sflag:s0], $0x2000  }
0x73: {  	[sflag:s0] =	ssyncset.done $0x0  }
0x74: {  	s6 =	rddreg [dreg:$0x6];
	[sflag:s0] =	ssyncadd.s32 $0xFFFFE000  }
0x75: {  	[tilespmem:s3], [sflag:$0x3] =	stream.linear.gather [hbm4b:s6+s3], $0x200, $0x38;
	[tilespmem:$0x12140] =	vst v63  }
0x76: {  	_ =	swait.ge [sflag:s5], $0x200  }
0x77: {  	[sflag:s5] =	ssyncset.done $0x0;
	s6 =	rddreg [dreg:$0x8]  }
0x78: {  	s11 =	simm.s32 @!p0 $0x1E03;
	s8 =	rddreg [dreg:$0x12];
	[sflag:s5] =	ssyncadd.s32 $0xFFFFFE00  }
0x79: {  	[spmem:s8], [sflag:s11] =	dma.local @!p0 [hbm:s6], $0x1000  }
0x7a: {  	_ =	swait.ge @!p0 [sflag:s7], $0x1000  }
0x7b: {  	[sflag:s7] =	ssyncset.done @!p0 $0x0;
	s6 =	rddreg [dreg:$0x7]  }
0x7c: {  	s11 =	simm.s32 @!p1 $0x1F03;
	s8 =	rddreg [dreg:$0x11];
	[sflag:s7] =	ssyncadd.s32 @!p0 $0xFFFFF000  }
0x7d: {  	[spmem:s8], [sflag:s11] =	dma.local @!p1 [hbm:s6], $0xE80  }
0x7e: {  	_ =	swait.ge @!p1 [sflag:s9], $0xE80  }
0x7f: {  	[sflag:s9] =	ssyncset.done @!p1 $0x0  }
0x80: {  	s8 =	simm.s32 @!p3 $0x1C03;
	s6 =	rddreg [dreg:$0x5];
	[sflag:s9] =	ssyncadd.s32 @!p1 $0xFFFFF180  }
0x81: {  	[spmem:s10], [sflag:s8] =	dma.local @!p3 [hbm:s6], $0x1000  }
0x82: {  	_ =	swait.ge @!p3 [sflag:s12], $0x1000  }
0x83: {  	[sflag:s12] =	ssyncset.done @!p3 $0x0;
	s6 =	rddreg [dreg:$0x9]  }
0x84: {  	s8 =	rddreg [dreg:$0x13];
	[sflag:s12] =	ssyncadd.s32 @!p3 $0xFFFFF000  }
0x85: {  	[spmem:s8], [sflag:s13] =	dma.local @!p2 [hbm:s6], $0x1000  }
0x86: {  	_ =	swait.ge @!p2 [sflag:s14], $0x1000  }
0x87: {  	[sflag:s14] =	ssyncset.done @!p2 $0x0  }
0x88: {  	[sflag:s14] =	ssyncadd.s32 @!p2 $0xFFFFF000  }
0x89: {  	[bflag:$0x0] =	sbarrier.arrive $0xFFFF  }
0x8a: {  	[tilespmem:s16], [sflag:$0x1] =	stream.indirect.gather [spmem:s2], $0x80, s3, s15, $0xb8;
	[tilespmem:$0x12140] =	vst v63  }
0x8b: {  	_ = 	snop  }
0x8c: {  	[tilespmem:s17], [sflag:$0x1] =	stream.indirect.gather [spmem:s2], $0x80, s15, s15, $0xb8;
	[tilespmem:$0x12140] =	vst v63  }
0x8d: {  	_ = 	snop  }
0x8e: {  	[tilespmem:s19], [sflag:$0x1] =	stream.indirect.gather [spmem:s2], $0x80, s18, s15, $0xb8;
	[tilespmem:$0x12140] =	vst v63  }
0x8f: {  	_ = 	snop  }
0x90: {  	[tilespmem:s21], [sflag:$0x1] =	stream.indirect.gather [spmem:s2], $0x80, s20, s15, $0xb8;
	[tilespmem:$0x12140] =	vst v63  }
0x91: {  	_ = 	snop  }
0x92: {  	[tilespmem:s23], [sflag:$0x1] =	stream.indirect.gather [spmem:s2], $0x80, s22, s15, $0xb8;
	[tilespmem:$0x12140] =	vst v63  }
0x93: {  	_ = 	snop  }
0x94: {  	[tilespmem:s25], [sflag:$0x1] =	stream.indirect.gather [spmem:s2], $0x80, s24, s15, $0xb8;
	[tilespmem:$0x12140] =	vst v63  }
0x95: {  	_ = 	snop  }
0x96: {  	[tilespmem:s28], [sflag:$0x1] =	stream.indirect.gather [spmem:s2], $0x80, s26, s15, $0xb8;
	[tilespmem:$0x12140] =	vst v63  }
0x97: {  	_ = 	snop  }
0x98: {  	[tilespmem:s30], [sflag:$0x1] =	stream.indirect.gather [spmem:s2], $0x80, s29, s15, $0xb8;
	[tilespmem:$0x12140] =	vst v63  }
0x99: {  	_ =	swait.ge [sflag:s31], $0x2000  }
0x9a: {  	[sflag:s31] =	ssyncset.done $0x0  }
0x9b: {  	[sflag:s31] =	ssyncadd.s32 $0xFFFFE000  }
0x9c: {  	[hbm4b:s4+s3] =	stream.linear.scatter [tilespmem:s16], [sflag:$0x2], $0x2000, $0x38;
	[tilespmem:$0x12140] =	vst v63  }
0x9d: {  	_ =	swait.ge [sflag:s31], $0x2000  }
0x9e: {  	[sflag:s31] =	ssyncset.done $0x0  }
0x9f: {  	s11 =	rddreg [dreg:$0xa];
	[sflag:s31] =	ssyncadd.s32 $0xFFFFE000  }
0xa0: {  	[hbm4b:s11+s3] =	stream.linear.scatter [tilespmem:s17], [sflag:$0x2], $0x2000, $0x38;
	[tilespmem:$0x12140] =	vst v63  }
0xa1: {  	_ =	swait.ge [sflag:s31], $0x2000  }
0xa2: {  	[sflag:s31] =	ssyncset.done $0x0  }
0xa3: {  	s8 =	rddreg [dreg:$0xb];
	[sflag:s31] =	ssyncadd.s32 $0xFFFFE000  }
0xa4: {  	[hbm4b:s8+s3] =	stream.linear.scatter [tilespmem:s19], [sflag:$0x2], $0x2000, $0x38;
	[tilespmem:$0x12140] =	vst v63  }
0xa5: {  	_ =	swait.ge [sflag:s31], $0x2000  }
0xa6: {  	[sflag:s31] =	ssyncset.done $0x0  }
0xa7: {  	s11 =	rddreg [dreg:$0xc];
	[sflag:s31] =	ssyncadd.s32 $0xFFFFE000  }
0xa8: {  	[hbm4b:s11+s3] =	stream.linear.scatter [tilespmem:s21], [sflag:$0x2], $0x2000, $0x38;
	[tilespmem:$0x12140] =	vst v63  }
0xa9: {  	_ =	swait.ge [sflag:s31], $0x2000  }
0xaa: {  	[sflag:s31] =	ssyncset.done $0x0  }
0xab: {  	s8 =	rddreg [dreg:$0xd];
	[sflag:s31] =	ssyncadd.s32 $0xFFFFE000  }
0xac: {  	[hbm4b:s8+s3] =	stream.linear.scatter [tilespmem:s23], [sflag:$0x2], $0x2000, $0x38;
	[tilespmem:$0x12140] =	vst v63  }
0xad: {  	_ =	swait.ge [sflag:s31], $0x2000  }
0xae: {  	[sflag:s31] =	ssyncset.done $0x0  }
0xaf: {  	s11 =	rddreg [dreg:$0xe];
	[sflag:s31] =	ssyncadd.s32 $0xFFFFE000  }
0xb0: {  	[hbm4b:s11+s3] =	stream.linear.scatter [tilespmem:s25], [sflag:$0x2], $0x2000, $0x38;
	[tilespmem:$0x12140] =	vst v63  }
0xb1: {  	_ =	swait.ge [sflag:s31], $0x2000  }
0xb2: {  	[sflag:s31] =	ssyncset.done $0x0  }
0xb3: {  	s8 =	rddreg [dreg:$0xf];
	[sflag:s31] =	ssyncadd.s32 $0xFFFFE000  }
0xb4: {  	[hbm4b:s8+s3] =	stream.linear.scatter [tilespmem:s28], [sflag:$0x2], $0x2000, $0x38;
	[tilespmem:$0x12140] =	vst v63  }
0xb5: {  	_ =	swait.ge [sflag:s31], $0x2000  }
0xb6: {  	[sflag:s31] =	ssyncset.done $0x0  }
0xb7: {  	s11 =	rddreg [dreg:$0x10];
	[sflag:s31] =	ssyncadd.s32 $0xFFFFE000  }
0xb8: {  	[hbm4b:s11+s3] =	stream.linear.scatter [tilespmem:s30], [sflag:$0x2], $0x2000, $0x38;
	[tilespmem:$0x12140] =	vst v63  }
0xb9: {  	_ =	swait.ge [sflag:s0], $0x2000  }
0xba: {  	[sflag:s0] =	ssyncset.done $0x0  }
0xbb: {  	[sflag:s0] =	ssyncadd.s32 $0xFFFFE000  }
0xbc: {  	_ =	swait.ge [sflag:s0], $0x2000  }
0xbd: {  	[sflag:s0] =	ssyncset.done $0x0  }
0xbe: {  	[sflag:s0] =	ssyncadd.s32 $0xFFFFE000  }
0xbf: {  	_ =	swait.ge [sflag:s0], $0x2000  }
0xc0: {  	[sflag:s0] =	ssyncset.done $0x0  }
0xc1: {  	[sflag:s0] =	ssyncadd.s32 $0xFFFFE000  }
0xc2: {  	_ =	swait.ge [sflag:s0], $0x2000  }
0xc3: {  	[sflag:s0] =	ssyncset.done $0x0  }
0xc4: {  	[sflag:s0] =	ssyncadd.s32 $0xFFFFE000  }
0xc5: {  	_ =	swait.ge [sflag:s0], $0x2000  }
0xc6: {  	s1 =	sadd.s32 $0xFFFFFFFF, s1;
	[sflag:s0] =	ssyncset.done $0x0  }
0xc7: {  	p4 =	sne.s32 s1, $0x0;
	[sflag:s0] =	ssyncadd.s32 $0xFFFFE000  }
.Ltmp1:
0xc8: {  	_ =	swait.ge [sflag:s0], $0x2000;
	(pc) =	sbr.rel @p4 .LBB2_1-.Ltmp1, $4  }
0xc9: {  	[sflag:s0] =	ssyncset.done $0x0  }
0xca: {  	[sflag:s0] =	ssyncadd.s32 $0xFFFFE000  }
0xcb: {  	_ =	swait.ge [sflag:s0], $0x2000  }
0xcc: {  	[sflag:s0] =	ssyncset.done $0x0  }
.LBB2_2:
0xcd: {  	[sflag:s0] =	ssyncadd.s32 $0xFFFFE000  }
0xce: {  	_ =	swait.ge [sflag:s0], $0x2000  }
0xcf: {  	[sflag:s0] =	ssyncset.done $0x0  }
0xd0: {  	[sflag:s0] =	ssyncadd.s32 $0xFFFFE000  }
0xd1: {  	_ =	sfence.sel $0x180000  }
0xd2: {  	[bflag:$0x0] =	sbarrier.arrive $0xFFFF  }
0xd3: {  	_ =	strace $0x90000047  }
0xd4: {  	s31 =	stileid.u32;
	[bflag:$0x2] =	sbarrier.arrive $0xFFFF  }
0xd5: {  	p0 =	sne.s32 s31, $0x0;
	s0 =	rddreg [dreg:$0x4]  }
0xd6: {  	s0 =	sadd.s32 @!p0 $0x100000, s0  }
0xd7: {  	[sflag:s0] =	ssyncadd.tile.s32 @!p0 $0x1;
	_ =	shalt  }
.Lfunc_end2:
_tile_overlayer_lowered:
.L_overlay_start_2:
0xd8: {  	(tag) =	ssettag $0x2  }
0xd9: {  	s0 =	rddreg [dreg:$0x0];
	s2 =	stileid.u32  }
0xda: {  	s1 =	rddreg [dreg:$0x1];
	p0 =	sne.s32 s2, $0x0  }
0xdb: {  	s3 =	rddreg [dreg:$0x2];
	[bflag:$0x3] =	sbarrier.arrive $0xFFFF;
	s2 =	simm.s32 @!p0 $0x1C03  }
0xdc: {  	[timem:s3], [sflag:s2] =	dma.local @!p0 [hbm:s0], s1  }
0xdd: {  	s0 =	simm.s32 @!p0 $0x3  }
0xde: {  	_ =	swait.ge @!p0 [sflag:s0], s1  }
0xdf: {  	s1 =	ssub.s32 @!p0 $0x0, s1;
	[sflag:s0] =	ssyncset.done @!p0 $0x0  }
0xe0: {  	[sflag:s0] =	ssyncadd.s32 @!p0 s1  }
0xe1: {  	[bflag:$0x3] =	sbarrier.arrive $0xFFFF  }
0xe2: {  	_ =	shalt  }

</sc_bundles>
